<compile_context>
chip_gen: v7x
topology: tpu7x:2x2x1
jax: 0.10.2.dev20260603
libtpu: 0.0.44.dev20260713+nightly
codegen_flags: <defaults>
</compile_context>

<pallas_src>
import functools

import jax
import jax.numpy as jnp
from jax import lax
from jax.experimental import pallas as pl
from jax.experimental.pallas import tpu as pltpu
from jax.experimental.pallas import tpu_sc as plsc

BATCH = 4096
HIST = 50
EMBED_DIM = 128

_B = BATCH * HIST
_NC, _NS = 2, 16
_NW = _NC * _NS
_BPW = _B // _NW
_CH = 128
_NCHUNK = _BPW // _CH
_DEPTH = 4
_SLACK = 2
_NBUF = _DEPTH + _SLACK

_mesh = plsc.VectorSubcoreMesh(core_axis_name="c", subcore_axis_name="s")


@functools.partial(
    pl.kernel,
    out_type=jax.ShapeDtypeStruct((_B, EMBED_DIM), jnp.float32),
    mesh=_mesh,
    scratch_types=[
        pltpu.VMEM((_NCHUNK, _CH), jnp.int32),
        pltpu.VMEM((_NBUF, _CH, EMBED_DIM), jnp.float32),
        pltpu.SemaphoreType.DMA,
        pltpu.SemaphoreType.DMA,
    ],
)
def _sc_gather(weight_hbm, idx_hbm, out_hbm, idx_v, rows_v, gsem, wsem):
    wid = lax.axis_index("s") * _NC + lax.axis_index("c")
    base = wid * _BPW

    pltpu.sync_copy(idx_hbm.at[wid], idx_v)

    def gather(g, buf):
        return pltpu.async_copy(weight_hbm.at[idx_v.at[g]], rows_v.at[buf], gsem)

    def writeback(g, buf):
        return pltpu.async_copy(
            rows_v.at[buf], out_hbm.at[pl.ds(base + g * _CH, _CH)], wsem
        )

    def drain_one(sem):
        pltpu.make_async_copy(
            weight_hbm.at[pl.ds(0, _CH)], rows_v.at[0], sem
        ).wait()

    for b in range(_DEPTH):
        gather(b, b)

    def body(g, _):
        drain_one(gsem)
        writeback(g, lax.rem(g, _NBUF))

        @pl.when(g >= _SLACK)
        def _():
            drain_one(wsem)

        gather(g + _DEPTH, lax.rem(g + _DEPTH, _NBUF))
        return 0

    lax.fori_loop(0, _NCHUNK - _DEPTH, body, 0, unroll=2)

    for k in range(_NCHUNK - _DEPTH, _NCHUNK):
        drain_one(gsem)
        writeback(k, k % _NBUF)
    for _ in range(_DEPTH + _SLACK):
        drain_one(wsem)


def kernel(input_, weight):
    idx = input_.T.reshape(_NW, _NCHUNK, _CH).astype(jnp.int32)
    flat = _sc_gather(weight, idx)
    return flat.reshape(HIST, BATCH, EMBED_DIM).transpose(1, 0, 2)

# --- scband reference (transcript-rebuilt; emitter-appended) ---
"""Pipeline reference for scband-vocab-parallel-embedding-9766755631538 (READ-ONLY COPY).

The authoritative reference and input builder live on the scoring server;
editing this copy changes nothing except your own understanding.
"""

import jax, jax.numpy as jnp
import numpy as np

VOCAB = 100000
PADDING = 64
VOCAB_PADDED = (VOCAB + PADDING - 1) // PADDING * PADDING  # 100032
EMBED_DIM = 128
BATCH = 4096
HIST = 50


def setup_inputs(seed: int = 0) -> dict:
    key = jax.random.key(seed)
    k1, k2 = jax.random.split(key)
    input_ = jax.random.randint(k1, (BATCH, HIST), 0, VOCAB, dtype=jnp.int64 if jax.config.jax_enable_x64 else jnp.int32)
    weight = jax.random.normal(k2, (VOCAB_PADDED, EMBED_DIM), dtype=jnp.float32) * 0.02
    return {"input_": input_, "weight": weight}


def reference(input_, weight):
    # tp_size == 1 path: no masking needed; vocab_start_index = 0,
    # vocab_end_index = VOCAB_PADDED. F.embedding -> gather rows.
    masked_input = input_
    output_parallel = jnp.take(weight, masked_input, axis=0)
    # tensor_model_parallel_all_reduce is identity for tp_size == 1
    output = output_parallel
    return output

if __name__ == "__main__":
    import jax
    _d = setup_inputs()
    print(jax.jit(kernel)(*tuple(_d.values())))

</pallas_src>

<mosaic_0001>
#map = affine_map<(d0, d1) -> (0, 0)>
#map1 = affine_map<(d0, d1) -> (0, 0, 0)>
module attributes {stable_mosaic.version = 14 : i64} {
  func.func @_sc_gather(%arg0: i32, %arg1: i32, %arg2: memref<100032x128xf32, #tpu.memory_space<hbm>>, %arg3: memref<32x50x128xi32, #tpu.memory_space<hbm>>, %arg4: memref<204800x128xf32, #tpu.memory_space<hbm>>, %arg5: memref<50x128xi32, #tpu.memory_space<vmem>>, %arg6: memref<6x128x128xf32, #tpu.memory_space<vmem>>, %arg7: memref<!tpu.dma_semaphore, #tpu.memory_space<semaphore_mem>>, %arg8: memref<!tpu.dma_semaphore, #tpu.memory_space<semaphore_mem>>) attributes {dimension_semantics = [#tpu.dimension_semantics<core_parallel>, #tpu.dimension_semantics<subcore_parallel>], iteration_bounds = array<i64: 2, 16>, scalar_prefetch = 0 : i64, scratch_operands = 4 : i64, tpu.core_type = #tpu.core_type<sc_vector_subcore>, window_params = [{transform_indices = #map}, {transform_indices = #map1}, {transform_indices = #map}]} {
    %mul3A = arith.constant 2 : i32
    %mul3A_0 = arith.muli %arg1, %mul3A : i32
    %add3A = arith.addi %mul3A_0, %arg0 : i32
    %mul3A_1 = arith.constant 6400 : i32
    %mul3A_2 = arith.muli %add3A, %mul3A_1 : i32
    "tpu.region"() ({
      %run_scoped3A = tpu.sem_alloc : memref<!tpu.dma_semaphore, #tpu.memory_space<semaphore_mem>>
      %dma_start3A_265 = arith.constant 0 : i32
      %dma_start3A_266 = arith.constant 0 : i32
      %dma_start3A_267 = tpu.memref_slice %arg3[%add3A, %dma_start3A_265, %dma_start3A_266] : memref<32x50x128xi32, #tpu.memory_space<hbm>> -> memref<1x50x128xi32, #tpu.memory_space<hbm>>
      %dma_start3A_268 = tpu.memref_squeeze %dma_start3A_267 : memref<1x50x128xi32, #tpu.memory_space<hbm>> -> memref<50x128xi32, #tpu.memory_space<hbm>>
      %dma_start3A_269 = arith.constant 0 : i32
      %dma_start3A_270 = arith.constant 0 : i32
      %dma_start3A_271 = tpu.memref_slice %arg3[%add3A, %dma_start3A_269, %dma_start3A_270] : memref<32x50x128xi32, #tpu.memory_space<hbm>> -> memref<1x50x128xi32, #tpu.memory_space<hbm>>
      %dma_start3A_272 = tpu.memref_squeeze %dma_start3A_271 : memref<1x50x128xi32, #tpu.memory_space<hbm>> -> memref<50x128xi32, #tpu.memory_space<hbm>>
      tpu.enqueue_dma source(%dma_start3A_272 : memref<50x128xi32, #tpu.memory_space<hbm>>) target(%arg5 : memref<50x128xi32, #tpu.memory_space<vmem>>) target_semaphore(%run_scoped3A : memref<!tpu.dma_semaphore, #tpu.memory_space<semaphore_mem>>)
      %dma_wait3A_273 = arith.constant 0 : i32
      %dma_wait3A_274 = arith.constant 0 : i32
      %dma_wait3A_275 = tpu.memref_slice %arg3[%add3A, %dma_wait3A_273, %dma_wait3A_274] : memref<32x50x128xi32, #tpu.memory_space<hbm>> -> memref<1x50x128xi32, #tpu.memory_space<hbm>>
      %dma_wait3A_276 = tpu.memref_squeeze %dma_wait3A_275 : memref<1x50x128xi32, #tpu.memory_space<hbm>> -> memref<50x128xi32, #tpu.memory_space<hbm>>
      %dma_wait3A_277 = arith.constant 0 : i32
      %dma_wait3A_278 = arith.constant 0 : i32
      %dma_wait3A_279 = tpu.memref_slice %arg3[%add3A, %dma_wait3A_277, %dma_wait3A_278] : memref<32x50x128xi32, #tpu.memory_space<hbm>> -> memref<1x50x128xi32, #tpu.memory_space<hbm>>
      %dma_wait3A_280 = tpu.memref_squeeze %dma_wait3A_279 : memref<1x50x128xi32, #tpu.memory_space<hbm>> -> memref<50x128xi32, #tpu.memory_space<hbm>>
      tpu.wait_dma2 semaphore(%run_scoped3A : memref<!tpu.dma_semaphore, #tpu.memory_space<semaphore_mem>>) src(%dma_wait3A_280 : memref<50x128xi32, #tpu.memory_space<hbm>>) dst(%arg5 : memref<50x128xi32, #tpu.memory_space<vmem>>)
      tpu.yield
    }) : () -> ()
    %dma_start3A = arith.constant 0 : i32
    %dma_start3A_3 = arith.constant 0 : i32
    %dma_start3A_4 = arith.constant 0 : i32
    %dma_start3A_5 = arith.constant 0 : i32
    %dma_start3A_6 = tpu.memref_slice %arg6[%dma_start3A_3, %dma_start3A_4, %dma_start3A_5] : memref<6x128x128xf32, #tpu.memory_space<vmem>> -> memref<1x128x128xf32, #tpu.memory_space<vmem>>
    %dma_start3A_7 = tpu.memref_squeeze %dma_start3A_6 : memref<1x128x128xf32, #tpu.memory_space<vmem>> -> memref<128x128xf32, #tpu.memory_space<vmem>>
    %dma_start3A_8 = arith.constant 0 : i32
    %dma_start3A_9 = tpu.memref_slice %arg5[%dma_start3A, %dma_start3A_8] : memref<50x128xi32, #tpu.memory_space<vmem>> -> memref<1x128xi32, #tpu.memory_space<vmem>>
    %dma_start3A_10 = tpu.memref_squeeze %dma_start3A_9 : memref<1x128xi32, #tpu.memory_space<vmem>> -> memref<128xi32, #tpu.memory_space<vmem>>
    %dma_start3A_11 = arith.constant 0 : i32
    %dma_start3A_12 = arith.constant 0 : i32
    %dma_start3A_13 = tpu.memref_slice %arg2[%dma_start3A_11, %dma_start3A_12] : memref<100032x128xf32, #tpu.memory_space<hbm>> -> memref<100032x128xf32, #tpu.memory_space<hbm>>
    tpu.enqueue_indirect_dma source(%dma_start3A_13 : memref<100032x128xf32, #tpu.memory_space<hbm>>) target(%dma_start3A_7 : memref<128x128xf32, #tpu.memory_space<vmem>>) offsets(%dma_start3A_10 : memref<128xi32, #tpu.memory_space<vmem>>) semaphore(%arg7 : memref<!tpu.dma_semaphore, #tpu.memory_space<semaphore_mem>>)
    %dma_start3A_14 = arith.constant 1 : i32
    %dma_start3A_15 = arith.constant 1 : i32
    %dma_start3A_16 = arith.constant 0 : i32
    %dma_start3A_17 = arith.constant 0 : i32
    %dma_start3A_18 = tpu.memref_slice %arg6[%dma_start3A_15, %dma_start3A_16, %dma_start3A_17] : memref<6x128x128xf32, #tpu.memory_space<vmem>> -> memref<1x128x128xf32, #tpu.memory_space<vmem>>
    %dma_start3A_19 = tpu.memref_squeeze %dma_start3A_18 : memref<1x128x128xf32, #tpu.memory_space<vmem>> -> memref<128x128xf32, #tpu.memory_space<vmem>>
    %dma_start3A_20 = arith.constant 0 : i32
    %dma_start3A_21 = tpu.memref_slice %arg5[%dma_start3A_14, %dma_start3A_20] : memref<50x128xi32, #tpu.memory_space<vmem>> -> memref<1x128xi32, #tpu.memory_space<vmem>>
    %dma_start3A_22 = tpu.memref_squeeze %dma_start3A_21 : memref<1x128xi32, #tpu.memory_space<vmem>> -> memref<128xi32, #tpu.memory_space<vmem>>
    %dma_start3A_23 = arith.constant 0 : i32
    %dma_start3A_24 = arith.constant 0 : i32
    %dma_start3A_25 = tpu.memref_slice %arg2[%dma_start3A_23, %dma_start3A_24] : memref<100032x128xf32, #tpu.memory_space<hbm>> -> memref<100032x128xf32, #tpu.memory_space<hbm>>
    tpu.enqueue_indirect_dma source(%dma_start3A_25 : memref<100032x128xf32, #tpu.memory_space<hbm>>) target(%dma_start3A_19 : memref<128x128xf32, #tpu.memory_space<vmem>>) offsets(%dma_start3A_22 : memref<128xi32, #tpu.memory_space<vmem>>) semaphore(%arg7 : memref<!tpu.dma_semaphore, #tpu.memory_space<semaphore_mem>>)
    %dma_start3A_26 = arith.constant 2 : i32
    %dma_start3A_27 = arith.constant 2 : i32
    %dma_start3A_28 = arith.constant 0 : i32
    %dma_start3A_29 = arith.constant 0 : i32
    %dma_start3A_30 = tpu.memref_slice %arg6[%dma_start3A_27, %dma_start3A_28, %dma_start3A_29] : memref<6x128x128xf32, #tpu.memory_space<vmem>> -> memref<1x128x128xf32, #tpu.memory_space<vmem>>
    %dma_start3A_31 = tpu.memref_squeeze %dma_start3A_30 : memref<1x128x128xf32, #tpu.memory_space<vmem>> -> memref<128x128xf32, #tpu.memory_space<vmem>>
    %dma_start3A_32 = arith.constant 0 : i32
    %dma_start3A_33 = tpu.memref_slice %arg5[%dma_start3A_26, %dma_start3A_32] : memref<50x128xi32, #tpu.memory_space<vmem>> -> memref<1x128xi32, #tpu.memory_space<vmem>>
    %dma_start3A_34 = tpu.memref_squeeze %dma_start3A_33 : memref<1x128xi32, #tpu.memory_space<vmem>> -> memref<128xi32, #tpu.memory_space<vmem>>
    %dma_start3A_35 = arith.constant 0 : i32
    %dma_start3A_36 = arith.constant 0 : i32
    %dma_start3A_37 = tpu.memref_slice %arg2[%dma_start3A_35, %dma_start3A_36] : memref<100032x128xf32, #tpu.memory_space<hbm>> -> memref<100032x128xf32, #tpu.memory_space<hbm>>
    tpu.enqueue_indirect_dma source(%dma_start3A_37 : memref<100032x128xf32, #tpu.memory_space<hbm>>) target(%dma_start3A_31 : memref<128x128xf32, #tpu.memory_space<vmem>>) offsets(%dma_start3A_34 : memref<128xi32, #tpu.memory_space<vmem>>) semaphore(%arg7 : memref<!tpu.dma_semaphore, #tpu.memory_space<semaphore_mem>>)
    %dma_start3A_38 = arith.constant 3 : i32
    %dma_start3A_39 = arith.constant 3 : i32
    %dma_start3A_40 = arith.constant 0 : i32
    %dma_start3A_41 = arith.constant 0 : i32
    %dma_start3A_42 = tpu.memref_slice %arg6[%dma_start3A_39, %dma_start3A_40, %dma_start3A_41] : memref<6x128x128xf32, #tpu.memory_space<vmem>> -> memref<1x128x128xf32, #tpu.memory_space<vmem>>
    %dma_start3A_43 = tpu.memref_squeeze %dma_start3A_42 : memref<1x128x128xf32, #tpu.memory_space<vmem>> -> memref<128x128xf32, #tpu.memory_space<vmem>>
    %dma_start3A_44 = arith.constant 0 : i32
    %dma_start3A_45 = tpu.memref_slice %arg5[%dma_start3A_38, %dma_start3A_44] : memref<50x128xi32, #tpu.memory_space<vmem>> -> memref<1x128xi32, #tpu.memory_space<vmem>>
    %dma_start3A_46 = tpu.memref_squeeze %dma_start3A_45 : memref<1x128xi32, #tpu.memory_space<vmem>> -> memref<128xi32, #tpu.memory_space<vmem>>
    %dma_start3A_47 = arith.constant 0 : i32
    %dma_start3A_48 = arith.constant 0 : i32
    %dma_start3A_49 = tpu.memref_slice %arg2[%dma_start3A_47, %dma_start3A_48] : memref<100032x128xf32, #tpu.memory_space<hbm>> -> memref<100032x128xf32, #tpu.memory_space<hbm>>
    tpu.enqueue_indirect_dma source(%dma_start3A_49 : memref<100032x128xf32, #tpu.memory_space<hbm>>) target(%dma_start3A_43 : memref<128x128xf32, #tpu.memory_space<vmem>>) offsets(%dma_start3A_46 : memref<128xi32, #tpu.memory_space<vmem>>) semaphore(%arg7 : memref<!tpu.dma_semaphore, #tpu.memory_space<semaphore_mem>>)
    %scan3A = arith.constant 0 : i32
    %scan3A_50 = arith.constant 0 : i32
    %scan3A_51 = arith.constant 46 : i32
    %scan3A_52 = arith.addi %scan3A_50, %scan3A_51 : i32
    %scan3A_53 = arith.constant 2 : i32
    %scan3A_54 = scf.for %scan3A_265 = %scan3A_50 to %scan3A_52 step %scan3A_53 iter_args(%scan3A_266 = %scan3A) -> (i32)  : i32 {
      %dma_wait3A_267 = arith.constant 0 : i32
      %dma_wait3A_268 = arith.constant 0 : i32
      %dma_wait3A_269 = arith.constant 0 : i32
      %dma_wait3A_270 = tpu.memref_slice %arg6[%dma_wait3A_267, %dma_wait3A_268, %dma_wait3A_269] : memref<6x128x128xf32, #tpu.memory_space<vmem>> -> memref<1x128x128xf32, #tpu.memory_space<vmem>>
      %dma_wait3A_271 = tpu.memref_squeeze %dma_wait3A_270 : memref<1x128x128xf32, #tpu.memory_space<vmem>> -> memref<128x128xf32, #tpu.memory_space<vmem>>
      %dma_wait3A_272 = arith.constant 0 : i32
      %dma_wait3A_273 = arith.constant 0 : i32
      %dma_wait3A_274 = tpu.memref_slice %arg2[%dma_wait3A_272, %dma_wait3A_273] : memref<100032x128xf32, #tpu.memory_space<hbm>> -> memref<128x128xf32, #tpu.memory_space<hbm>>
      %dma_wait3A_275 = arith.constant 0 : i32
      %dma_wait3A_276 = arith.constant 0 : i32
      %dma_wait3A_277 = tpu.memref_slice %arg6[%dma_wait3A_267, %dma_wait3A_275, %dma_wait3A_276] : memref<6x128x128xf32, #tpu.memory_space<vmem>> -> memref<1x128x128xf32, #tpu.memory_space<vmem>>
      %dma_wait3A_278 = tpu.memref_squeeze %dma_wait3A_277 : memref<1x128x128xf32, #tpu.memory_space<vmem>> -> memref<128x128xf32, #tpu.memory_space<vmem>>
      %dma_wait3A_279 = arith.constant 0 : i32
      %dma_wait3A_280 = arith.constant 0 : i32
      %dma_wait3A_281 = tpu.memref_slice %arg2[%dma_wait3A_279, %dma_wait3A_280] : memref<100032x128xf32, #tpu.memory_space<hbm>> -> memref<128x128xf32, #tpu.memory_space<hbm>>
      tpu.wait_dma2 semaphore(%arg7 : memref<!tpu.dma_semaphore, #tpu.memory_space<semaphore_mem>>) src(%dma_wait3A_281 : memref<128x128xf32, #tpu.memory_space<hbm>>) dst(%dma_wait3A_278 : memref<128x128xf32, #tpu.memory_space<vmem>>)
      %rem3A = arith.constant 6 : i32
      %rem3A_282 = arith.remsi %scan3A_265, %rem3A : i32
      %mul3A_283 = arith.constant 128 : i32
      %mul3A_284 = arith.muli %scan3A_265, %mul3A_283 : i32
      %add3A_285 = arith.addi %mul3A_2, %mul3A_284 : i32
      %dma_start3A_286 = arith.constant 0 : i32
      %dma_start3A_287 = arith.constant 0 : i32
      %dma_start3A_288 = tpu.memref_slice %arg6[%rem3A_282, %dma_start3A_286, %dma_start3A_287] : memref<6x128x128xf32, #tpu.memory_space<vmem>> -> memref<1x128x128xf32, #tpu.memory_space<vmem>>
      %dma_start3A_289 = tpu.memref_squeeze %dma_start3A_288 : memref<1x128x128xf32, #tpu.memory_space<vmem>> -> memref<128x128xf32, #tpu.memory_space<vmem>>
      %dma_start3A_290 = arith.constant 0 : i32
      %dma_start3A_291 = tpu.memref_slice %arg4[%add3A_285, %dma_start3A_290] : memref<204800x128xf32, #tpu.memory_space<hbm>> -> memref<128x128xf32, #tpu.memory_space<hbm>>
      %dma_start3A_292 = arith.constant 0 : i32
      %dma_start3A_293 = tpu.memref_slice %arg4[%add3A_285, %dma_start3A_292] : memref<204800x128xf32, #tpu.memory_space<hbm>> -> memref<128x128xf32, #tpu.memory_space<hbm>>
      %dma_start3A_294 = arith.constant 0 : i32
      %dma_start3A_295 = arith.constant 0 : i32
      %dma_start3A_296 = tpu.memref_slice %arg6[%rem3A_282, %dma_start3A_294, %dma_start3A_295] : memref<6x128x128xf32, #tpu.memory_space<vmem>> -> memref<1x128x128xf32, #tpu.memory_space<vmem>>
      %dma_start3A_297 = tpu.memref_squeeze %dma_start3A_296 : memref<1x128x128xf32, #tpu.memory_space<vmem>> -> memref<128x128xf32, #tpu.memory_space<vmem>>
      tpu.enqueue_dma source(%dma_start3A_297 : memref<128x128xf32, #tpu.memory_space<vmem>>) target(%dma_start3A_293 : memref<128x128xf32, #tpu.memory_space<hbm>>) target_semaphore(%arg8 : memref<!tpu.dma_semaphore, #tpu.memory_space<semaphore_mem>>)
      %ge3A = arith.constant 2 : i32
      %ge3A_298 = arith.cmpi sge, %scan3A_265, %ge3A : i32
      %convert_element_type3A = arith.extui %ge3A_298 : i1 to i32
      %cond3A = arith.constant 0 : i32
      %cond3A_299 = arith.cmpi ne, %convert_element_type3A, %cond3A : i32
      scf.if %cond3A_299 {
        %dma_wait3A_373 = arith.constant 0 : i32
        %dma_wait3A_374 = arith.constant 0 : i32
        %dma_wait3A_375 = arith.constant 0 : i32
        %dma_wait3A_376 = tpu.memref_slice %arg6[%dma_wait3A_373, %dma_wait3A_374, %dma_wait3A_375] : memref<6x128x128xf32, #tpu.memory_space<vmem>> -> memref<1x128x128xf32, #tpu.memory_space<vmem>>
        %dma_wait3A_377 = tpu.memref_squeeze %dma_wait3A_376 : memref<1x128x128xf32, #tpu.memory_space<vmem>> -> memref<128x128xf32, #tpu.memory_space<vmem>>
        %dma_wait3A_378 = arith.constant 0 : i32
        %dma_wait3A_379 = arith.constant 0 : i32
        %dma_wait3A_380 = tpu.memref_slice %arg2[%dma_wait3A_378, %dma_wait3A_379] : memref<100032x128xf32, #tpu.memory_space<hbm>> -> memref<128x128xf32, #tpu.memory_space<hbm>>
        %dma_wait3A_381 = arith.constant 0 : i32
        %dma_wait3A_382 = arith.constant 0 : i32
        %dma_wait3A_383 = tpu.memref_slice %arg6[%dma_wait3A_373, %dma_wait3A_381, %dma_wait3A_382] : memref<6x128x128xf32, #tpu.memory_space<vmem>> -> memref<1x128x128xf32, #tpu.memory_space<vmem>>
        %dma_wait3A_384 = tpu.memref_squeeze %dma_wait3A_383 : memref<1x128x128xf32, #tpu.memory_space<vmem>> -> memref<128x128xf32, #tpu.memory_space<vmem>>
        %dma_wait3A_385 = arith.constant 0 : i32
        %dma_wait3A_386 = arith.constant 0 : i32
        %dma_wait3A_387 = tpu.memref_slice %arg2[%dma_wait3A_385, %dma_wait3A_386] : memref<100032x128xf32, #tpu.memory_space<hbm>> -> memref<128x128xf32, #tpu.memory_space<hbm>>
        tpu.wait_dma2 semaphore(%arg8 : memref<!tpu.dma_semaphore, #tpu.memory_space<semaphore_mem>>) src(%dma_wait3A_387 : memref<128x128xf32, #tpu.memory_space<hbm>>) dst(%dma_wait3A_384 : memref<128x128xf32, #tpu.memory_space<vmem>>)
      } else {
      }
      %add3A_300 = arith.constant 4 : i32
      %add3A_301 = arith.addi %scan3A_265, %add3A_300 : i32
      %add3A_302 = arith.constant 4 : i32
      %add3A_303 = arith.addi %scan3A_265, %add3A_302 : i32
      %rem3A_304 = arith.constant 6 : i32
      %rem3A_305 = arith.remsi %add3A_303, %rem3A_304 : i32
      %dma_start3A_306 = arith.constant 0 : i32
      %dma_start3A_307 = arith.constant 0 : i32
      %dma_start3A_308 = tpu.memref_slice %arg6[%rem3A_305, %dma_start3A_306, %dma_start3A_307] : memref<6x128x128xf32, #tpu.memory_space<vmem>> -> memref<1x128x128xf32, #tpu.memory_space<vmem>>
      %dma_start3A_309 = tpu.memref_squeeze %dma_start3A_308 : memref<1x128x128xf32, #tpu.memory_space<vmem>> -> memref<128x128xf32, #tpu.memory_space<vmem>>
      %dma_start3A_310 = arith.constant 0 : i32
      %dma_start3A_311 = tpu.memref_slice %arg5[%add3A_301, %dma_start3A_310] : memref<50x128xi32, #tpu.memory_space<vmem>> -> memref<1x128xi32, #tpu.memory_space<vmem>>
      %dma_start3A_312 = tpu.memref_squeeze %dma_start3A_311 : memref<1x128xi32, #tpu.memory_space<vmem>> -> memref<128xi32, #tpu.memory_space<vmem>>
      %dma_start3A_313 = arith.constant 0 : i32
      %dma_start3A_314 = arith.constant 0 : i32
      %dma_start3A_315 = tpu.memref_slice %arg2[%dma_start3A_313, %dma_start3A_314] : memref<100032x128xf32, #tpu.memory_space<hbm>> -> memref<100032x128xf32, #tpu.memory_space<hbm>>
      tpu.enqueue_indirect_dma source(%dma_start3A_315 : memref<100032x128xf32, #tpu.memory_space<hbm>>) target(%dma_start3A_309 : memref<128x128xf32, #tpu.memory_space<vmem>>) offsets(%dma_start3A_312 : memref<128xi32, #tpu.memory_space<vmem>>) semaphore(%arg7 : memref<!tpu.dma_semaphore, #tpu.memory_space<semaphore_mem>>)
      %scan3A_316 = arith.constant 0 : i32
      %scan3A_317 = arith.constant 1 : i32
      %scan3A_318 = arith.addi %scan3A_265, %scan3A_317 : i32
      %dma_wait3A_319 = arith.constant 0 : i32
      %dma_wait3A_320 = arith.constant 0 : i32
      %dma_wait3A_321 = arith.constant 0 : i32
      %dma_wait3A_322 = tpu.memref_slice %arg6[%dma_wait3A_319, %dma_wait3A_320, %dma_wait3A_321] : memref<6x128x128xf32, #tpu.memory_space<vmem>> -> memref<1x128x128xf32, #tpu.memory_space<vmem>>
      %dma_wait3A_323 = tpu.memref_squeeze %dma_wait3A_322 : memref<1x128x128xf32, #tpu.memory_space<vmem>> -> memref<128x128xf32, #tpu.memory_space<vmem>>
      %dma_wait3A_324 = arith.constant 0 : i32
      %dma_wait3A_325 = arith.constant 0 : i32
      %dma_wait3A_326 = tpu.memref_slice %arg2[%dma_wait3A_324, %dma_wait3A_325] : memref<100032x128xf32, #tpu.memory_space<hbm>> -> memref<128x128xf32, #tpu.memory_space<hbm>>
      %dma_wait3A_327 = arith.constant 0 : i32
      %dma_wait3A_328 = arith.constant 0 : i32
      %dma_wait3A_329 = tpu.memref_slice %arg6[%dma_wait3A_319, %dma_wait3A_327, %dma_wait3A_328] : memref<6x128x128xf32, #tpu.memory_space<vmem>> -> memref<1x128x128xf32, #tpu.memory_space<vmem>>
      %dma_wait3A_330 = tpu.memref_squeeze %dma_wait3A_329 : memref<1x128x128xf32, #tpu.memory_space<vmem>> -> memref<128x128xf32, #tpu.memory_space<vmem>>
      %dma_wait3A_331 = arith.constant 0 : i32
      %dma_wait3A_332 = arith.constant 0 : i32
      %dma_wait3A_333 = tpu.memref_slice %arg2[%dma_wait3A_331, %dma_wait3A_332] : memref<100032x128xf32, #tpu.memory_space<hbm>> -> memref<128x128xf32, #tpu.memory_space<hbm>>
      tpu.wait_dma2 semaphore(%arg7 : memref<!tpu.dma_semaphore, #tpu.memory_space<semaphore_mem>>) src(%dma_wait3A_333 : memref<128x128xf32, #tpu.memory_space<hbm>>) dst(%dma_wait3A_330 : memref<128x128xf32, #tpu.memory_space<vmem>>)
      %rem3A_334 = arith.constant 6 : i32
      %rem3A_335 = arith.remsi %scan3A_318, %rem3A_334 : i32
      %mul3A_336 = arith.constant 128 : i32
      %mul3A_337 = arith.muli %scan3A_318, %mul3A_336 : i32
      %add3A_338 = arith.addi %mul3A_2, %mul3A_337 : i32
      %dma_start3A_339 = arith.constant 0 : i32
      %dma_start3A_340 = arith.constant 0 : i32
      %dma_start3A_341 = tpu.memref_slice %arg6[%rem3A_335, %dma_start3A_339, %dma_start3A_340] : memref<6x128x128xf32, #tpu.memory_space<vmem>> -> memref<1x128x128xf32, #tpu.memory_space<vmem>>
      %dma_start3A_342 = tpu.memref_squeeze %dma_start3A_341 : memref<1x128x128xf32, #tpu.memory_space<vmem>> -> memref<128x128xf32, #tpu.memory_space<vmem>>
      %dma_start3A_343 = arith.constant 0 : i32
      %dma_start3A_344 = tpu.memref_slice %arg4[%add3A_338, %dma_start3A_343] : memref<204800x128xf32, #tpu.memory_space<hbm>> -> memref<128x128xf32, #tpu.memory_space<hbm>>
      %dma_start3A_345 = arith.constant 0 : i32
      %dma_start3A_346 = tpu.memref_slice %arg4[%add3A_338, %dma_start3A_345] : memref<204800x128xf32, #tpu.memory_space<hbm>> -> memref<128x128xf32, #tpu.memory_space<hbm>>
      %dma_start3A_347 = arith.constant 0 : i32
      %dma_start3A_348 = arith.constant 0 : i32
      %dma_start3A_349 = tpu.memref_slice %arg6[%rem3A_335, %dma_start3A_347, %dma_start3A_348] : memref<6x128x128xf32, #tpu.memory_space<vmem>> -> memref<1x128x128xf32, #tpu.memory_space<vmem>>
      %dma_start3A_350 = tpu.memref_squeeze %dma_start3A_349 : memref<1x128x128xf32, #tpu.memory_space<vmem>> -> memref<128x128xf32, #tpu.memory_space<vmem>>
      tpu.enqueue_dma source(%dma_start3A_350 : memref<128x128xf32, #tpu.memory_space<vmem>>) target(%dma_start3A_346 : memref<128x128xf32, #tpu.memory_space<hbm>>) target_semaphore(%arg8 : memref<!tpu.dma_semaphore, #tpu.memory_space<semaphore_mem>>)
      %ge3A_351 = arith.constant 2 : i32
      %ge3A_352 = arith.cmpi sge, %scan3A_318, %ge3A_351 : i32
      %convert_element_type3A_353 = arith.extui %ge3A_352 : i1 to i32
      %cond3A_354 = arith.constant 0 : i32
      %cond3A_355 = arith.cmpi ne, %convert_element_type3A_353, %cond3A_354 : i32
      scf.if %cond3A_355 {
        %dma_wait3A_373 = arith.constant 0 : i32
        %dma_wait3A_374 = arith.constant 0 : i32
        %dma_wait3A_375 = arith.constant 0 : i32
        %dma_wait3A_376 = tpu.memref_slice %arg6[%dma_wait3A_373, %dma_wait3A_374, %dma_wait3A_375] : memref<6x128x128xf32, #tpu.memory_space<vmem>> -> memref<1x128x128xf32, #tpu.memory_space<vmem>>
        %dma_wait3A_377 = tpu.memref_squeeze %dma_wait3A_376 : memref<1x128x128xf32, #tpu.memory_space<vmem>> -> memref<128x128xf32, #tpu.memory_space<vmem>>
        %dma_wait3A_378 = arith.constant 0 : i32
        %dma_wait3A_379 = arith.constant 0 : i32
        %dma_wait3A_380 = tpu.memref_slice %arg2[%dma_wait3A_378, %dma_wait3A_379] : memref<100032x128xf32, #tpu.memory_space<hbm>> -> memref<128x128xf32, #tpu.memory_space<hbm>>
        %dma_wait3A_381 = arith.constant 0 : i32
        %dma_wait3A_382 = arith.constant 0 : i32
        %dma_wait3A_383 = tpu.memref_slice %arg6[%dma_wait3A_373, %dma_wait3A_381, %dma_wait3A_382] : memref<6x128x128xf32, #tpu.memory_space<vmem>> -> memref<1x128x128xf32, #tpu.memory_space<vmem>>
        %dma_wait3A_384 = tpu.memref_squeeze %dma_wait3A_383 : memref<1x128x128xf32, #tpu.memory_space<vmem>> -> memref<128x128xf32, #tpu.memory_space<vmem>>
        %dma_wait3A_385 = arith.constant 0 : i32
        %dma_wait3A_386 = arith.constant 0 : i32
        %dma_wait3A_387 = tpu.memref_slice %arg2[%dma_wait3A_385, %dma_wait3A_386] : memref<100032x128xf32, #tpu.memory_space<hbm>> -> memref<128x128xf32, #tpu.memory_space<hbm>>
        tpu.wait_dma2 semaphore(%arg8 : memref<!tpu.dma_semaphore, #tpu.memory_space<semaphore_mem>>) src(%dma_wait3A_387 : memref<128x128xf32, #tpu.memory_space<hbm>>) dst(%dma_wait3A_384 : memref<128x128xf32, #tpu.memory_space<vmem>>)
      } else {
      }
      %add3A_356 = arith.constant 4 : i32
      %add3A_357 = arith.addi %scan3A_318, %add3A_356 : i32
      %add3A_358 = arith.constant 4 : i32
      %add3A_359 = arith.addi %scan3A_318, %add3A_358 : i32
      %rem3A_360 = arith.constant 6 : i32
      %rem3A_361 = arith.remsi %add3A_359, %rem3A_360 : i32
      %dma_start3A_362 = arith.constant 0 : i32
      %dma_start3A_363 = arith.constant 0 : i32
      %dma_start3A_364 = tpu.memref_slice %arg6[%rem3A_361, %dma_start3A_362, %dma_start3A_363] : memref<6x128x128xf32, #tpu.memory_space<vmem>> -> memref<1x128x128xf32, #tpu.memory_space<vmem>>
      %dma_start3A_365 = tpu.memref_squeeze %dma_start3A_364 : memref<1x128x128xf32, #tpu.memory_space<vmem>> -> memref<128x128xf32, #tpu.memory_space<vmem>>
      %dma_start3A_366 = arith.constant 0 : i32
      %dma_start3A_367 = tpu.memref_slice %arg5[%add3A_357, %dma_start3A_366] : memref<50x128xi32, #tpu.memory_space<vmem>> -> memref<1x128xi32, #tpu.memory_space<vmem>>
      %dma_start3A_368 = tpu.memref_squeeze %dma_start3A_367 : memref<1x128xi32, #tpu.memory_space<vmem>> -> memref<128xi32, #tpu.memory_space<vmem>>
      %dma_start3A_369 = arith.constant 0 : i32
      %dma_start3A_370 = arith.constant 0 : i32
      %dma_start3A_371 = tpu.memref_slice %arg2[%dma_start3A_369, %dma_start3A_370] : memref<100032x128xf32, #tpu.memory_space<hbm>> -> memref<100032x128xf32, #tpu.memory_space<hbm>>
      tpu.enqueue_indirect_dma source(%dma_start3A_371 : memref<100032x128xf32, #tpu.memory_space<hbm>>) target(%dma_start3A_365 : memref<128x128xf32, #tpu.memory_space<vmem>>) offsets(%dma_start3A_368 : memref<128xi32, #tpu.memory_space<vmem>>) semaphore(%arg7 : memref<!tpu.dma_semaphore, #tpu.memory_space<semaphore_mem>>)
      %scan3A_372 = arith.constant 0 : i32
      scf.yield %scan3A_372 : i32
    }
    %scan3A_55 = arith.constant 46 : i32
    %dma_wait3A = arith.constant 0 : i32
    %dma_wait3A_56 = arith.constant 0 : i32
    %dma_wait3A_57 = arith.constant 0 : i32
    %dma_wait3A_58 = tpu.memref_slice %arg6[%dma_wait3A, %dma_wait3A_56, %dma_wait3A_57] : memref<6x128x128xf32, #tpu.memory_space<vmem>> -> memref<1x128x128xf32, #tpu.memory_space<vmem>>
    %dma_wait3A_59 = tpu.memref_squeeze %dma_wait3A_58 : memref<1x128x128xf32, #tpu.memory_space<vmem>> -> memref<128x128xf32, #tpu.memory_space<vmem>>
    %dma_wait3A_60 = arith.constant 0 : i32
    %dma_wait3A_61 = arith.constant 0 : i32
    %dma_wait3A_62 = tpu.memref_slice %arg2[%dma_wait3A_60, %dma_wait3A_61] : memref<100032x128xf32, #tpu.memory_space<hbm>> -> memref<128x128xf32, #tpu.memory_space<hbm>>
    %dma_wait3A_63 = arith.constant 0 : i32
    %dma_wait3A_64 = arith.constant 0 : i32
    %dma_wait3A_65 = tpu.memref_slice %arg6[%dma_wait3A, %dma_wait3A_63, %dma_wait3A_64] : memref<6x128x128xf32, #tpu.memory_space<vmem>> -> memref<1x128x128xf32, #tpu.memory_space<vmem>>
    %dma_wait3A_66 = tpu.memref_squeeze %dma_wait3A_65 : memref<1x128x128xf32, #tpu.memory_space<vmem>> -> memref<128x128xf32, #tpu.memory_space<vmem>>
    %dma_wait3A_67 = arith.constant 0 : i32
    %dma_wait3A_68 = arith.constant 0 : i32
    %dma_wait3A_69 = tpu.memref_slice %arg2[%dma_wait3A_67, %dma_wait3A_68] : memref<100032x128xf32, #tpu.memory_space<hbm>> -> memref<128x128xf32, #tpu.memory_space<hbm>>
    tpu.wait_dma2 semaphore(%arg7 : memref<!tpu.dma_semaphore, #tpu.memory_space<semaphore_mem>>) src(%dma_wait3A_69 : memref<128x128xf32, #tpu.memory_space<hbm>>) dst(%dma_wait3A_66 : memref<128x128xf32, #tpu.memory_space<vmem>>)
    %add3A_70 = arith.constant 5888 : i32
    %add3A_71 = arith.addi %mul3A_2, %add3A_70 : i32
    %dma_start3A_72 = arith.constant 4 : i32
    %dma_start3A_73 = arith.constant 0 : i32
    %dma_start3A_74 = arith.constant 0 : i32
    %dma_start3A_75 = tpu.memref_slice %arg6[%dma_start3A_72, %dma_start3A_73, %dma_start3A_74] : memref<6x128x128xf32, #tpu.memory_space<vmem>> -> memref<1x128x128xf32, #tpu.memory_space<vmem>>
    %dma_start3A_76 = tpu.memref_squeeze %dma_start3A_75 : memref<1x128x128xf32, #tpu.memory_space<vmem>> -> memref<128x128xf32, #tpu.memory_space<vmem>>
    %dma_start3A_77 = arith.constant 0 : i32
    %dma_start3A_78 = tpu.memref_slice %arg4[%add3A_71, %dma_start3A_77] : memref<204800x128xf32, #tpu.memory_space<hbm>> -> memref<128x128xf32, #tpu.memory_space<hbm>>
    %dma_start3A_79 = arith.constant 0 : i32
    %dma_start3A_80 = tpu.memref_slice %arg4[%add3A_71, %dma_start3A_79] : memref<204800x128xf32, #tpu.memory_space<hbm>> -> memref<128x128xf32, #tpu.memory_space<hbm>>
    %dma_start3A_81 = arith.constant 0 : i32
    %dma_start3A_82 = arith.constant 0 : i32
    %dma_start3A_83 = tpu.memref_slice %arg6[%dma_start3A_72, %dma_start3A_81, %dma_start3A_82] : memref<6x128x128xf32, #tpu.memory_space<vmem>> -> memref<1x128x128xf32, #tpu.memory_space<vmem>>
    %dma_start3A_84 = tpu.memref_squeeze %dma_start3A_83 : memref<1x128x128xf32, #tpu.memory_space<vmem>> -> memref<128x128xf32, #tpu.memory_space<vmem>>
    tpu.enqueue_dma source(%dma_start3A_84 : memref<128x128xf32, #tpu.memory_space<vmem>>) target(%dma_start3A_80 : memref<128x128xf32, #tpu.memory_space<hbm>>) target_semaphore(%arg8 : memref<!tpu.dma_semaphore, #tpu.memory_space<semaphore_mem>>)
    %dma_wait3A_85 = arith.constant 0 : i32
    %dma_wait3A_86 = arith.constant 0 : i32
    %dma_wait3A_87 = arith.constant 0 : i32
    %dma_wait3A_88 = tpu.memref_slice %arg6[%dma_wait3A_85, %dma_wait3A_86, %dma_wait3A_87] : memref<6x128x128xf32, #tpu.memory_space<vmem>> -> memref<1x128x128xf32, #tpu.memory_space<vmem>>
    %dma_wait3A_89 = tpu.memref_squeeze %dma_wait3A_88 : memref<1x128x128xf32, #tpu.memory_space<vmem>> -> memref<128x128xf32, #tpu.memory_space<vmem>>
    %dma_wait3A_90 = arith.constant 0 : i32
    %dma_wait3A_91 = arith.constant 0 : i32
    %dma_wait3A_92 = tpu.memref_slice %arg2[%dma_wait3A_90, %dma_wait3A_91] : memref<100032x128xf32, #tpu.memory_space<hbm>> -> memref<128x128xf32, #tpu.memory_space<hbm>>
    %dma_wait3A_93 = arith.constant 0 : i32
    %dma_wait3A_94 = arith.constant 0 : i32
    %dma_wait3A_95 = tpu.memref_slice %arg6[%dma_wait3A_85, %dma_wait3A_93, %dma_wait3A_94] : memref<6x128x128xf32, #tpu.memory_space<vmem>> -> memref<1x128x128xf32, #tpu.memory_space<vmem>>
    %dma_wait3A_96 = tpu.memref_squeeze %dma_wait3A_95 : memref<1x128x128xf32, #tpu.memory_space<vmem>> -> memref<128x128xf32, #tpu.memory_space<vmem>>
    %dma_wait3A_97 = arith.constant 0 : i32
    %dma_wait3A_98 = arith.constant 0 : i32
    %dma_wait3A_99 = tpu.memref_slice %arg2[%dma_wait3A_97, %dma_wait3A_98] : memref<100032x128xf32, #tpu.memory_space<hbm>> -> memref<128x128xf32, #tpu.memory_space<hbm>>
    tpu.wait_dma2 semaphore(%arg7 : memref<!tpu.dma_semaphore, #tpu.memory_space<semaphore_mem>>) src(%dma_wait3A_99 : memref<128x128xf32, #tpu.memory_space<hbm>>) dst(%dma_wait3A_96 : memref<128x128xf32, #tpu.memory_space<vmem>>)
    %add3A_100 = arith.constant 6016 : i32
    %add3A_101 = arith.addi %mul3A_2, %add3A_100 : i32
    %dma_start3A_102 = arith.constant 5 : i32
    %dma_start3A_103 = arith.constant 0 : i32
    %dma_start3A_104 = arith.constant 0 : i32
    %dma_start3A_105 = tpu.memref_slice %arg6[%dma_start3A_102, %dma_start3A_103, %dma_start3A_104] : memref<6x128x128xf32, #tpu.memory_space<vmem>> -> memref<1x128x128xf32, #tpu.memory_space<vmem>>
    %dma_start3A_106 = tpu.memref_squeeze %dma_start3A_105 : memref<1x128x128xf32, #tpu.memory_space<vmem>> -> memref<128x128xf32, #tpu.memory_space<vmem>>
    %dma_start3A_107 = arith.constant 0 : i32
    %dma_start3A_108 = tpu.memref_slice %arg4[%add3A_101, %dma_start3A_107] : memref<204800x128xf32, #tpu.memory_space<hbm>> -> memref<128x128xf32, #tpu.memory_space<hbm>>
    %dma_start3A_109 = arith.constant 0 : i32
    %dma_start3A_110 = tpu.memref_slice %arg4[%add3A_101, %dma_start3A_109] : memref<204800x128xf32, #tpu.memory_space<hbm>> -> memref<128x128xf32, #tpu.memory_space<hbm>>
    %dma_start3A_111 = arith.constant 0 : i32
    %dma_start3A_112 = arith.constant 0 : i32
    %dma_start3A_113 = tpu.memref_slice %arg6[%dma_start3A_102, %dma_start3A_111, %dma_start3A_112] : memref<6x128x128xf32, #tpu.memory_space<vmem>> -> memref<1x128x128xf32, #tpu.memory_space<vmem>>
    %dma_start3A_114 = tpu.memref_squeeze %dma_start3A_113 : memref<1x128x128xf32, #tpu.memory_space<vmem>> -> memref<128x128xf32, #tpu.memory_space<vmem>>
    tpu.enqueue_dma source(%dma_start3A_114 : memref<128x128xf32, #tpu.memory_space<vmem>>) target(%dma_start3A_110 : memref<128x128xf32, #tpu.memory_space<hbm>>) target_semaphore(%arg8 : memref<!tpu.dma_semaphore, #tpu.memory_space<semaphore_mem>>)
    %dma_wait3A_115 = arith.constant 0 : i32
    %dma_wait3A_116 = arith.constant 0 : i32
    %dma_wait3A_117 = arith.constant 0 : i32
    %dma_wait3A_118 = tpu.memref_slice %arg6[%dma_wait3A_115, %dma_wait3A_116, %dma_wait3A_117] : memref<6x128x128xf32, #tpu.memory_space<vmem>> -> memref<1x128x128xf32, #tpu.memory_space<vmem>>
    %dma_wait3A_119 = tpu.memref_squeeze %dma_wait3A_118 : memref<1x128x128xf32, #tpu.memory_space<vmem>> -> memref<128x128xf32, #tpu.memory_space<vmem>>
    %dma_wait3A_120 = arith.constant 0 : i32
    %dma_wait3A_121 = arith.constant 0 : i32
    %dma_wait3A_122 = tpu.memref_slice %arg2[%dma_wait3A_120, %dma_wait3A_121] : memref<100032x128xf32, #tpu.memory_space<hbm>> -> memref<128x128xf32, #tpu.memory_space<hbm>>
    %dma_wait3A_123 = arith.constant 0 : i32
    %dma_wait3A_124 = arith.constant 0 : i32
    %dma_wait3A_125 = tpu.memref_slice %arg6[%dma_wait3A_115, %dma_wait3A_123, %dma_wait3A_124] : memref<6x128x128xf32, #tpu.memory_space<vmem>> -> memref<1x128x128xf32, #tpu.memory_space<vmem>>
    %dma_wait3A_126 = tpu.memref_squeeze %dma_wait3A_125 : memref<1x128x128xf32, #tpu.memory_space<vmem>> -> memref<128x128xf32, #tpu.memory_space<vmem>>
    %dma_wait3A_127 = arith.constant 0 : i32
    %dma_wait3A_128 = arith.constant 0 : i32
    %dma_wait3A_129 = tpu.memref_slice %arg2[%dma_wait3A_127, %dma_wait3A_128] : memref<100032x128xf32, #tpu.memory_space<hbm>> -> memref<128x128xf32, #tpu.memory_space<hbm>>
    tpu.wait_dma2 semaphore(%arg7 : memref<!tpu.dma_semaphore, #tpu.memory_space<semaphore_mem>>) src(%dma_wait3A_129 : memref<128x128xf32, #tpu.memory_space<hbm>>) dst(%dma_wait3A_126 : memref<128x128xf32, #tpu.memory_space<vmem>>)
    %add3A_130 = arith.constant 6144 : i32
    %add3A_131 = arith.addi %mul3A_2, %add3A_130 : i32
    %dma_start3A_132 = arith.constant 0 : i32
    %dma_start3A_133 = arith.constant 0 : i32
    %dma_start3A_134 = arith.constant 0 : i32
    %dma_start3A_135 = tpu.memref_slice %arg6[%dma_start3A_132, %dma_start3A_133, %dma_start3A_134] : memref<6x128x128xf32, #tpu.memory_space<vmem>> -> memref<1x128x128xf32, #tpu.memory_space<vmem>>
    %dma_start3A_136 = tpu.memref_squeeze %dma_start3A_135 : memref<1x128x128xf32, #tpu.memory_space<vmem>> -> memref<128x128xf32, #tpu.memory_space<vmem>>
    %dma_start3A_137 = arith.constant 0 : i32
    %dma_start3A_138 = tpu.memref_slice %arg4[%add3A_131, %dma_start3A_137] : memref<204800x128xf32, #tpu.memory_space<hbm>> -> memref<128x128xf32, #tpu.memory_space<hbm>>
    %dma_start3A_139 = arith.constant 0 : i32
    %dma_start3A_140 = tpu.memref_slice %arg4[%add3A_131, %dma_start3A_139] : memref<204800x128xf32, #tpu.memory_space<hbm>> -> memref<128x128xf32, #tpu.memory_space<hbm>>
    %dma_start3A_141 = arith.constant 0 : i32
    %dma_start3A_142 = arith.constant 0 : i32
    %dma_start3A_143 = tpu.memref_slice %arg6[%dma_start3A_132, %dma_start3A_141, %dma_start3A_142] : memref<6x128x128xf32, #tpu.memory_space<vmem>> -> memref<1x128x128xf32, #tpu.memory_space<vmem>>
    %dma_start3A_144 = tpu.memref_squeeze %dma_start3A_143 : memref<1x128x128xf32, #tpu.memory_space<vmem>> -> memref<128x128xf32, #tpu.memory_space<vmem>>
    tpu.enqueue_dma source(%dma_start3A_144 : memref<128x128xf32, #tpu.memory_space<vmem>>) target(%dma_start3A_140 : memref<128x128xf32, #tpu.memory_space<hbm>>) target_semaphore(%arg8 : memref<!tpu.dma_semaphore, #tpu.memory_space<semaphore_mem>>)
    %dma_wait3A_145 = arith.constant 0 : i32
    %dma_wait3A_146 = arith.constant 0 : i32
    %dma_wait3A_147 = arith.constant 0 : i32
    %dma_wait3A_148 = tpu.memref_slice %arg6[%dma_wait3A_145, %dma_wait3A_146, %dma_wait3A_147] : memref<6x128x128xf32, #tpu.memory_space<vmem>> -> memref<1x128x128xf32, #tpu.memory_space<vmem>>
    %dma_wait3A_149 = tpu.memref_squeeze %dma_wait3A_148 : memref<1x128x128xf32, #tpu.memory_space<vmem>> -> memref<128x128xf32, #tpu.memory_space<vmem>>
    %dma_wait3A_150 = arith.constant 0 : i32
    %dma_wait3A_151 = arith.constant 0 : i32
    %dma_wait3A_152 = tpu.memref_slice %arg2[%dma_wait3A_150, %dma_wait3A_151] : memref<100032x128xf32, #tpu.memory_space<hbm>> -> memref<128x128xf32, #tpu.memory_space<hbm>>
    %dma_wait3A_153 = arith.constant 0 : i32
    %dma_wait3A_154 = arith.constant 0 : i32
    %dma_wait3A_155 = tpu.memref_slice %arg6[%dma_wait3A_145, %dma_wait3A_153, %dma_wait3A_154] : memref<6x128x128xf32, #tpu.memory_space<vmem>> -> memref<1x128x128xf32, #tpu.memory_space<vmem>>
    %dma_wait3A_156 = tpu.memref_squeeze %dma_wait3A_155 : memref<1x128x128xf32, #tpu.memory_space<vmem>> -> memref<128x128xf32, #tpu.memory_space<vmem>>
    %dma_wait3A_157 = arith.constant 0 : i32
    %dma_wait3A_158 = arith.constant 0 : i32
    %dma_wait3A_159 = tpu.memref_slice %arg2[%dma_wait3A_157, %dma_wait3A_158] : memref<100032x128xf32, #tpu.memory_space<hbm>> -> memref<128x128xf32, #tpu.memory_space<hbm>>
    tpu.wait_dma2 semaphore(%arg7 : memref<!tpu.dma_semaphore, #tpu.memory_space<semaphore_mem>>) src(%dma_wait3A_159 : memref<128x128xf32, #tpu.memory_space<hbm>>) dst(%dma_wait3A_156 : memref<128x128xf32, #tpu.memory_space<vmem>>)
    %add3A_160 = arith.constant 6272 : i32
    %add3A_161 = arith.addi %mul3A_2, %add3A_160 : i32
    %dma_start3A_162 = arith.constant 1 : i32
    %dma_start3A_163 = arith.constant 0 : i32
    %dma_start3A_164 = arith.constant 0 : i32
    %dma_start3A_165 = tpu.memref_slice %arg6[%dma_start3A_162, %dma_start3A_163, %dma_start3A_164] : memref<6x128x128xf32, #tpu.memory_space<vmem>> -> memref<1x128x128xf32, #tpu.memory_space<vmem>>
    %dma_start3A_166 = tpu.memref_squeeze %dma_start3A_165 : memref<1x128x128xf32, #tpu.memory_space<vmem>> -> memref<128x128xf32, #tpu.memory_space<vmem>>
    %dma_start3A_167 = arith.constant 0 : i32
    %dma_start3A_168 = tpu.memref_slice %arg4[%add3A_161, %dma_start3A_167] : memref<204800x128xf32, #tpu.memory_space<hbm>> -> memref<128x128xf32, #tpu.memory_space<hbm>>
    %dma_start3A_169 = arith.constant 0 : i32
    %dma_start3A_170 = tpu.memref_slice %arg4[%add3A_161, %dma_start3A_169] : memref<204800x128xf32, #tpu.memory_space<hbm>> -> memref<128x128xf32, #tpu.memory_space<hbm>>
    %dma_start3A_171 = arith.constant 0 : i32
    %dma_start3A_172 = arith.constant 0 : i32
    %dma_start3A_173 = tpu.memref_slice %arg6[%dma_start3A_162, %dma_start3A_171, %dma_start3A_172] : memref<6x128x128xf32, #tpu.memory_space<vmem>> -> memref<1x128x128xf32, #tpu.memory_space<vmem>>
    %dma_start3A_174 = tpu.memref_squeeze %dma_start3A_173 : memref<1x128x128xf32, #tpu.memory_space<vmem>> -> memref<128x128xf32, #tpu.memory_space<vmem>>
    tpu.enqueue_dma source(%dma_start3A_174 : memref<128x128xf32, #tpu.memory_space<vmem>>) target(%dma_start3A_170 : memref<128x128xf32, #tpu.memory_space<hbm>>) target_semaphore(%arg8 : memref<!tpu.dma_semaphore, #tpu.memory_space<semaphore_mem>>)
    %dma_wait3A_175 = arith.constant 0 : i32
    %dma_wait3A_176 = arith.constant 0 : i32
    %dma_wait3A_177 = arith.constant 0 : i32
    %dma_wait3A_178 = tpu.memref_slice %arg6[%dma_wait3A_175, %dma_wait3A_176, %dma_wait3A_177] : memref<6x128x128xf32, #tpu.memory_space<vmem>> -> memref<1x128x128xf32, #tpu.memory_space<vmem>>
    %dma_wait3A_179 = tpu.memref_squeeze %dma_wait3A_178 : memref<1x128x128xf32, #tpu.memory_space<vmem>> -> memref<128x128xf32, #tpu.memory_space<vmem>>
    %dma_wait3A_180 = arith.constant 0 : i32
    %dma_wait3A_181 = arith.constant 0 : i32
    %dma_wait3A_182 = tpu.memref_slice %arg2[%dma_wait3A_180, %dma_wait3A_181] : memref<100032x128xf32, #tpu.memory_space<hbm>> -> memref<128x128xf32, #tpu.memory_space<hbm>>
    %dma_wait3A_183 = arith.constant 0 : i32
    %dma_wait3A_184 = arith.constant 0 : i32
    %dma_wait3A_185 = tpu.memref_slice %arg6[%dma_wait3A_175, %dma_wait3A_183, %dma_wait3A_184] : memref<6x128x128xf32, #tpu.memory_space<vmem>> -> memref<1x128x128xf32, #tpu.memory_space<vmem>>
    %dma_wait3A_186 = tpu.memref_squeeze %dma_wait3A_185 : memref<1x128x128xf32, #tpu.memory_space<vmem>> -> memref<128x128xf32, #tpu.memory_space<vmem>>
    %dma_wait3A_187 = arith.constant 0 : i32
    %dma_wait3A_188 = arith.constant 0 : i32
    %dma_wait3A_189 = tpu.memref_slice %arg2[%dma_wait3A_187, %dma_wait3A_188] : memref<100032x128xf32, #tpu.memory_space<hbm>> -> memref<128x128xf32, #tpu.memory_space<hbm>>
    tpu.wait_dma2 semaphore(%arg8 : memref<!tpu.dma_semaphore, #tpu.memory_space<semaphore_mem>>) src(%dma_wait3A_189 : memref<128x128xf32, #tpu.memory_space<hbm>>) dst(%dma_wait3A_186 : memref<128x128xf32, #tpu.memory_space<vmem>>)
    %dma_wait3A_190 = arith.constant 0 : i32
    %dma_wait3A_191 = arith.constant 0 : i32
    %dma_wait3A_192 = arith.constant 0 : i32
    %dma_wait3A_193 = tpu.memref_slice %arg6[%dma_wait3A_190, %dma_wait3A_191, %dma_wait3A_192] : memref<6x128x128xf32, #tpu.memory_space<vmem>> -> memref<1x128x128xf32, #tpu.memory_space<vmem>>
    %dma_wait3A_194 = tpu.memref_squeeze %dma_wait3A_193 : memref<1x128x128xf32, #tpu.memory_space<vmem>> -> memref<128x128xf32, #tpu.memory_space<vmem>>
    %dma_wait3A_195 = arith.constant 0 : i32
    %dma_wait3A_196 = arith.constant 0 : i32
    %dma_wait3A_197 = tpu.memref_slice %arg2[%dma_wait3A_195, %dma_wait3A_196] : memref<100032x128xf32, #tpu.memory_space<hbm>> -> memref<128x128xf32, #tpu.memory_space<hbm>>
    %dma_wait3A_198 = arith.constant 0 : i32
    %dma_wait3A_199 = arith.constant 0 : i32
    %dma_wait3A_200 = tpu.memref_slice %arg6[%dma_wait3A_190, %dma_wait3A_198, %dma_wait3A_199] : memref<6x128x128xf32, #tpu.memory_space<vmem>> -> memref<1x128x128xf32, #tpu.memory_space<vmem>>
    %dma_wait3A_201 = tpu.memref_squeeze %dma_wait3A_200 : memref<1x128x128xf32, #tpu.memory_space<vmem>> -> memref<128x128xf32, #tpu.memory_space<vmem>>
    %dma_wait3A_202 = arith.constant 0 : i32
    %dma_wait3A_203 = arith.constant 0 : i32
    %dma_wait3A_204 = tpu.memref_slice %arg2[%dma_wait3A_202, %dma_wait3A_203] : memref<100032x128xf32, #tpu.memory_space<hbm>> -> memref<128x128xf32, #tpu.memory_space<hbm>>
    tpu.wait_dma2 semaphore(%arg8 : memref<!tpu.dma_semaphore, #tpu.memory_space<semaphore_mem>>) src(%dma_wait3A_204 : memref<128x128xf32, #tpu.memory_space<hbm>>) dst(%dma_wait3A_201 : memref<128x128xf32, #tpu.memory_space<vmem>>)
    %dma_wait3A_205 = arith.constant 0 : i32
    %dma_wait3A_206 = arith.constant 0 : i32
    %dma_wait3A_207 = arith.constant 0 : i32
    %dma_wait3A_208 = tpu.memref_slice %arg6[%dma_wait3A_205, %dma_wait3A_206, %dma_wait3A_207] : memref<6x128x128xf32, #tpu.memory_space<vmem>> -> memref<1x128x128xf32, #tpu.memory_space<vmem>>
    %dma_wait3A_209 = tpu.memref_squeeze %dma_wait3A_208 : memref<1x128x128xf32, #tpu.memory_space<vmem>> -> memref<128x128xf32, #tpu.memory_space<vmem>>
    %dma_wait3A_210 = arith.constant 0 : i32
    %dma_wait3A_211 = arith.constant 0 : i32
    %dma_wait3A_212 = tpu.memref_slice %arg2[%dma_wait3A_210, %dma_wait3A_211] : memref<100032x128xf32, #tpu.memory_space<hbm>> -> memref<128x128xf32, #tpu.memory_space<hbm>>
    %dma_wait3A_213 = arith.constant 0 : i32
    %dma_wait3A_214 = arith.constant 0 : i32
    %dma_wait3A_215 = tpu.memref_slice %arg6[%dma_wait3A_205, %dma_wait3A_213, %dma_wait3A_214] : memref<6x128x128xf32, #tpu.memory_space<vmem>> -> memref<1x128x128xf32, #tpu.memory_space<vmem>>
    %dma_wait3A_216 = tpu.memref_squeeze %dma_wait3A_215 : memref<1x128x128xf32, #tpu.memory_space<vmem>> -> memref<128x128xf32, #tpu.memory_space<vmem>>
    %dma_wait3A_217 = arith.constant 0 : i32
    %dma_wait3A_218 = arith.constant 0 : i32
    %dma_wait3A_219 = tpu.memref_slice %arg2[%dma_wait3A_217, %dma_wait3A_218] : memref<100032x128xf32, #tpu.memory_space<hbm>> -> memref<128x128xf32, #tpu.memory_space<hbm>>
    tpu.wait_dma2 semaphore(%arg8 : memref<!tpu.dma_semaphore, #tpu.memory_space<semaphore_mem>>) src(%dma_wait3A_219 : memref<128x128xf32, #tpu.memory_space<hbm>>) dst(%dma_wait3A_216 : memref<128x128xf32, #tpu.memory_space<vmem>>)
    %dma_wait3A_220 = arith.constant 0 : i32
    %dma_wait3A_221 = arith.constant 0 : i32
    %dma_wait3A_222 = arith.constant 0 : i32
    %dma_wait3A_223 = tpu.memref_slice %arg6[%dma_wait3A_220, %dma_wait3A_221, %dma_wait3A_222] : memref<6x128x128xf32, #tpu.memory_space<vmem>> -> memref<1x128x128xf32, #tpu.memory_space<vmem>>
    %dma_wait3A_224 = tpu.memref_squeeze %dma_wait3A_223 : memref<1x128x128xf32, #tpu.memory_space<vmem>> -> memref<128x128xf32, #tpu.memory_space<vmem>>
    %dma_wait3A_225 = arith.constant 0 : i32
    %dma_wait3A_226 = arith.constant 0 : i32
    %dma_wait3A_227 = tpu.memref_slice %arg2[%dma_wait3A_225, %dma_wait3A_226] : memref<100032x128xf32, #tpu.memory_space<hbm>> -> memref<128x128xf32, #tpu.memory_space<hbm>>
    %dma_wait3A_228 = arith.constant 0 : i32
    %dma_wait3A_229 = arith.constant 0 : i32
    %dma_wait3A_230 = tpu.memref_slice %arg6[%dma_wait3A_220, %dma_wait3A_228, %dma_wait3A_229] : memref<6x128x128xf32, #tpu.memory_space<vmem>> -> memref<1x128x128xf32, #tpu.memory_space<vmem>>
    %dma_wait3A_231 = tpu.memref_squeeze %dma_wait3A_230 : memref<1x128x128xf32, #tpu.memory_space<vmem>> -> memref<128x128xf32, #tpu.memory_space<vmem>>
    %dma_wait3A_232 = arith.constant 0 : i32
    %dma_wait3A_233 = arith.constant 0 : i32
    %dma_wait3A_234 = tpu.memref_slice %arg2[%dma_wait3A_232, %dma_wait3A_233] : memref<100032x128xf32, #tpu.memory_space<hbm>> -> memref<128x128xf32, #tpu.memory_space<hbm>>
    tpu.wait_dma2 semaphore(%arg8 : memref<!tpu.dma_semaphore, #tpu.memory_space<semaphore_mem>>) src(%dma_wait3A_234 : memref<128x128xf32, #tpu.memory_space<hbm>>) dst(%dma_wait3A_231 : memref<128x128xf32, #tpu.memory_space<vmem>>)
    %dma_wait3A_235 = arith.constant 0 : i32
    %dma_wait3A_236 = arith.constant 0 : i32
    %dma_wait3A_237 = arith.constant 0 : i32
    %dma_wait3A_238 = tpu.memref_slice %arg6[%dma_wait3A_235, %dma_wait3A_236, %dma_wait3A_237] : memref<6x128x128xf32, #tpu.memory_space<vmem>> -> memref<1x128x128xf32, #tpu.memory_space<vmem>>
    %dma_wait3A_239 = tpu.memref_squeeze %dma_wait3A_238 : memref<1x128x128xf32, #tpu.memory_space<vmem>> -> memref<128x128xf32, #tpu.memory_space<vmem>>
    %dma_wait3A_240 = arith.constant 0 : i32
    %dma_wait3A_241 = arith.constant 0 : i32
    %dma_wait3A_242 = tpu.memref_slice %arg2[%dma_wait3A_240, %dma_wait3A_241] : memref<100032x128xf32, #tpu.memory_space<hbm>> -> memref<128x128xf32, #tpu.memory_space<hbm>>
    %dma_wait3A_243 = arith.constant 0 : i32
    %dma_wait3A_244 = arith.constant 0 : i32
    %dma_wait3A_245 = tpu.memref_slice %arg6[%dma_wait3A_235, %dma_wait3A_243, %dma_wait3A_244] : memref<6x128x128xf32, #tpu.memory_space<vmem>> -> memref<1x128x128xf32, #tpu.memory_space<vmem>>
    %dma_wait3A_246 = tpu.memref_squeeze %dma_wait3A_245 : memref<1x128x128xf32, #tpu.memory_space<vmem>> -> memref<128x128xf32, #tpu.memory_space<vmem>>
    %dma_wait3A_247 = arith.constant 0 : i32
    %dma_wait3A_248 = arith.constant 0 : i32
    %dma_wait3A_249 = tpu.memref_slice %arg2[%dma_wait3A_247, %dma_wait3A_248] : memref<100032x128xf32, #tpu.memory_space<hbm>> -> memref<128x128xf32, #tpu.memory_space<hbm>>
    tpu.wait_dma2 semaphore(%arg8 : memref<!tpu.dma_semaphore, #tpu.memory_space<semaphore_mem>>) src(%dma_wait3A_249 : memref<128x128xf32, #tpu.memory_space<hbm>>) dst(%dma_wait3A_246 : memref<128x128xf32, #tpu.memory_space<vmem>>)
    %dma_wait3A_250 = arith.constant 0 : i32
    %dma_wait3A_251 = arith.constant 0 : i32
    %dma_wait3A_252 = arith.constant 0 : i32
    %dma_wait3A_253 = tpu.memref_slice %arg6[%dma_wait3A_250, %dma_wait3A_251, %dma_wait3A_252] : memref<6x128x128xf32, #tpu.memory_space<vmem>> -> memref<1x128x128xf32, #tpu.memory_space<vmem>>
    %dma_wait3A_254 = tpu.memref_squeeze %dma_wait3A_253 : memref<1x128x128xf32, #tpu.memory_space<vmem>> -> memref<128x128xf32, #tpu.memory_space<vmem>>
    %dma_wait3A_255 = arith.constant 0 : i32
    %dma_wait3A_256 = arith.constant 0 : i32
    %dma_wait3A_257 = tpu.memref_slice %arg2[%dma_wait3A_255, %dma_wait3A_256] : memref<100032x128xf32, #tpu.memory_space<hbm>> -> memref<128x128xf32, #tpu.memory_space<hbm>>
    %dma_wait3A_258 = arith.constant 0 : i32
    %dma_wait3A_259 = arith.constant 0 : i32
    %dma_wait3A_260 = tpu.memref_slice %arg6[%dma_wait3A_250, %dma_wait3A_258, %dma_wait3A_259] : memref<6x128x128xf32, #tpu.memory_space<vmem>> -> memref<1x128x128xf32, #tpu.memory_space<vmem>>
    %dma_wait3A_261 = tpu.memref_squeeze %dma_wait3A_260 : memref<1x128x128xf32, #tpu.memory_space<vmem>> -> memref<128x128xf32, #tpu.memory_space<vmem>>
    %dma_wait3A_262 = arith.constant 0 : i32
    %dma_wait3A_263 = arith.constant 0 : i32
    %dma_wait3A_264 = tpu.memref_slice %arg2[%dma_wait3A_262, %dma_wait3A_263] : memref<100032x128xf32, #tpu.memory_space<hbm>> -> memref<128x128xf32, #tpu.memory_space<hbm>>
    tpu.wait_dma2 semaphore(%arg8 : memref<!tpu.dma_semaphore, #tpu.memory_space<semaphore_mem>>) src(%dma_wait3A_264 : memref<128x128xf32, #tpu.memory_space<hbm>>) dst(%dma_wait3A_261 : memref<128x128xf32, #tpu.memory_space<vmem>>)
    return
  }
}

</mosaic_0001>

<sc_bundles>
// kernel: kernel.3.cloned.1.call-start
scs
__scs_entry_jumppad:
0x0: {  	(pc) =	sbr.rel $0x88, $3  }
0x1: {  	(tag) =	ssettag $0x0;
	lr =	simm.s32 $0x1  }
0x2: {  	[smem:$0x3F9F] =	sst lr;
	_ =	strace $0xD0000000  }
0x3: {  	_ = 	snop  }
0x4: {  	_ = 	snop  }
0x5: {  	_ = 	snop  }
0x6: {  	_ = 	snop  }
0x7: {  	_ = 	snop  }
__scs_overlays_trampoline_lowered:
0x8: {  	[smem:$0x3FAE] =	sst s0  }
0x9: {  	[smem:$0x3FAF] =	sst s1  }
0xa: {  	[smem:$0x3FB0] =	sst s2  }
0xb: {  	[smem:$0x3FB1] =	sst s3  }
0xc: {  	[smem:$0x3FB2] =	sst s4  }
0xd: {  	[smem:$0x3FB3] =	sst s5  }
0xe: {  	[smem:$0x3FB4] =	sst s6  }
0xf: {  	[smem:$0x3FB5] =	sst s7  }
0x10: {  	[smem:$0x3FB6] =	sst s8  }
0x11: {  	[smem:$0x3FB7] =	sst s9;
	s0 =	simm.s32 @!p0 $0x0  }
0x12: {  	s1 =	sld [smem:$0x3F9D];
	s0 =	simm.s32 @p0 $0x1  }
0x13: {  	[smem:$0x3FB8] =	sst s0;
	s0 =	simm.s32 @!p1 $0x0  }
0x14: {  	s2 =	sld [smem:$0x3F9C];
	s0 =	simm.s32 @p1 $0x1  }
0x15: {  	[smem:$0x3FB9] =	sst s0;
	s0 =	simm.s32 @!p2 $0x0  }
0x16: {  	s3 =	sld [smem:$0x3FDB];
	s0 =	simm.s32 @p2 $0x1  }
0x17: {  	s4 =	simm.s32 $0x1BF5;
	[smem:$0x3FBB] =	sst s0  }
0x18: {  	s0 =	sld [smem:$0x3F9E];
	_ =	swait.ge [sflag:s4], $0x0  }
0x19: {  	s7 =	sld [smem:$0x3F9F]  }
0x1a: {  	s8 =	sadd.s32 $0xFFFFE003, lr  }
0x1b: {  	s9 =	sadd.s32 $0xFFFFFEF7, lr;
	s5 =	simm.s32 $0xFFFFFFFF;
	p2 =	slt.u32 s8, $0xFFFFF086  }
0x1c: {  	p1 =	slt.u32 s9, $0xF7A;
	s5 =	simm.s32 @!p2 $0x0  }
0x1d: {  	s5 =	simm.s32 @p1 $0x1;
	p0 =	seq.s32 s7, s2  }
0x1e: {  	s7 =	smul.u32 @!p0 $0xF7A, s2;
	p2 =	seq.s32 @!p0 s5, $0x0  }
0x1f: {  	s9 =	smul.u32 $0xF7A, s1;
	s8 =	simm.s32 @!p0 $0x1BF5;
	p2 =	por !p2, p0  }
0x20: {  	[sflag:s8] =	ssyncset.s32 @!p0 $0xFFFFF086;
	s6 =	sadd.s32 @!p0 s3, s7;
	s7 =	simm.s32 @!p0 $0x108  }
0x21: {  	s3 =	sadd.s32 s3, s9;
	s6 =	sadd.s32 @!p0 $0x88, s6;
	s7 =	simm.s32 @p2 $0x1082  }
0x22: {  	[simem:s7], [sflag:s8] =	dma.local @!p0 [hbm:s6], $0xF7A  }
0x23: {  	s9 =	sor.u32 $0xD0000000, s2;
	s6 =	simm.s32 $0x108;
	_ =	swait.ge @!p0 [sflag:s8], $0x0  }
0x24: {  	s3 =	sadd.s32 $0x88, s3;
	s6 =	simm.s32 @!p1 $0x1082;
	[sflag:s4] =	ssyncset.s32 $0xFFFFF086  }
0x25: {  	[simem:s6], [sflag:s4] =	dma.local [hbm:s3], $0xF7A  }
0x26: {  	[smem:$0x3F9F] =	sst s1;
	(tag) =	ssettag s2;
	_ =	strace s9  }
0x27: {  	s1 =	sld [smem:$0x3FAF]  }
0x28: {  	s2 =	sld [smem:$0x3FB0]  }
0x29: {  	s4 =	sld [smem:$0x3FB2]  }
0x2a: {  	p0 =	seq.s32 s5, $0x0;
	s5 =	sld [smem:$0x3FB3]  }
0x2b: {  	s6 =	sld [smem:$0x3FB4]  }
0x2c: {  	s7 =	sld [smem:$0x3FB5]  }
0x2d: {  	s3 =	simm.s32 $0x108;
	s8 =	sld [smem:$0x3FB6]  }
0x2e: {  	s3 =	simm.s32 @!p0 $0x1082;
	s9 =	sld [smem:$0x3FB7]  }
0x2f: {  	lr =	sadd.s32 s0, s3;
	s0 =	sld [smem:$0x3FAE]  }
0x30: {  	s3 =	sld [smem:$0x3FB1]  }
0x31: {  	[smem:$0x3FBA] =	sst s10  }
0x32: {  	s10 =	sld [smem:$0x3FB8];
	_ =	sdelay $0x3  }
0x33: {  	p0 =	seq.s32 s10, $0x1;
	s10 =	sld [smem:$0x3FBA];
	_ =	sdelay $0x3  }
0x34: {  	[smem:$0x3FBA] =	sst s10  }
0x35: {  	s10 =	sld [smem:$0x3FB9];
	_ =	sdelay $0x3  }
0x36: {  	p1 =	seq.s32 s10, $0x1;
	s10 =	sld [smem:$0x3FBA];
	_ =	sdelay $0x3  }
0x37: {  	[smem:$0x3FBA] =	sst s10  }
0x38: {  	s10 =	sld [smem:$0x3FBB]  }
0x39: {  	_ = 	snop;
	(pc) =	sbr.ind lr, $3  }
0x3a: {  	_ = 	snop  }
0x3b: {  	_ = 	snop  }
0x3c: {  	p2 =	seq.s32 s10, $0x1;
	s10 =	sld [smem:$0x3FBA]  }
0x3d: {  	_ =	shalt  }
0x3e: {  	_ =	shalt  }
0x3f: {  	_ =	shalt  }
0x40: {  	_ =	shalt  }
0x41: {  	_ =	shalt  }
0x42: {  	_ =	shalt  }
0x43: {  	_ =	shalt  }
0x44: {  	_ =	shalt  }
0x45: {  	_ =	shalt  }
0x46: {  	_ =	shalt  }
0x47: {  	_ =	shalt  }
0x48: {  	_ =	shalt  }
0x49: {  	_ =	shalt  }
0x4a: {  	_ =	shalt  }
0x4b: {  	_ =	shalt  }
0x4c: {  	_ =	shalt  }
0x4d: {  	_ =	shalt  }
0x4e: {  	_ =	shalt  }
0x4f: {  	_ =	shalt  }
0x50: {  	_ =	shalt  }
0x51: {  	_ =	shalt  }
0x52: {  	_ =	shalt  }
0x53: {  	_ =	shalt  }
0x54: {  	_ =	shalt  }
0x55: {  	_ =	shalt  }
0x56: {  	_ =	shalt  }
0x57: {  	_ =	shalt  }
0x58: {  	_ =	shalt  }
0x59: {  	_ =	shalt  }
0x5a: {  	_ =	shalt  }
0x5b: {  	_ =	shalt  }
0x5c: {  	_ =	shalt  }
0x5d: {  	_ =	shalt  }
0x5e: {  	_ =	shalt  }
0x5f: {  	_ =	shalt  }
0x60: {  	_ =	shalt  }
0x61: {  	_ =	shalt  }
0x62: {  	_ =	shalt  }
0x63: {  	_ =	shalt  }
0x64: {  	_ =	shalt  }
0x65: {  	_ =	shalt  }
0x66: {  	_ =	shalt  }
0x67: {  	_ =	shalt  }
0x68: {  	_ =	shalt  }
0x69: {  	_ =	shalt  }
0x6a: {  	_ =	shalt  }
0x6b: {  	_ =	shalt  }
0x6c: {  	_ =	shalt  }
0x6d: {  	_ =	shalt  }
0x6e: {  	_ =	shalt  }
0x6f: {  	_ =	shalt  }
0x70: {  	_ =	shalt  }
0x71: {  	_ =	shalt  }
0x72: {  	_ =	shalt  }
0x73: {  	_ =	shalt  }
0x74: {  	_ =	shalt  }
0x75: {  	_ =	shalt  }
0x76: {  	_ =	shalt  }
0x77: {  	_ =	shalt  }
0x78: {  	_ =	shalt  }
0x79: {  	_ =	shalt  }
0x7a: {  	_ =	shalt  }
0x7b: {  	_ =	shalt  }
0x7c: {  	_ =	shalt  }
0x7d: {  	_ =	shalt  }
0x7e: {  	_ =	shalt  }
0x7f: {  	_ =	shalt  }
0x80: {  	_ =	shalt  }
0x81: {  	_ =	shalt  }
0x82: {  	_ =	shalt  }
0x83: {  	_ =	shalt  }
0x84: {  	_ =	shalt  }
0x85: {  	_ =	shalt  }
0x86: {  	_ =	shalt  }
0x87: {  	_ =	shalt  }
.Lfunc_end0:
.L_simem_size_0:
called_computation_lowered:
.L_overlay_start_0:
0x88: {  	s2 =	sld [smem:$0x3FD9]  }
0x89: {  	s3 =	sld [smem:$0x3FFE];
	_ =	sdelay $0x1  }
0x8a: {  	s1 =	srdreg.scid  }
0x8b: {  	s0 =	sand.u32 $0x1, s1  }
0x8c: {  	s17 =	sshll.u32 s0, $0xA;
	s2 =	sadd.s32 s3, s2  }
0x8d: {  	s2 =	sadd.s32 s2, s17  }
0x8e: {  	[smem:$0x3FC6] =	sst s2  }
0x8f: {  	_ = 	snop  }
0x90: {  	s2 =	sld [smem:$0x3FC8]  }
0x91: {  	s18 =	sld [smem:$0x3FD0];
	(tm) =	ssettm $0x1  }
0x92: {  	s4 =	sld [smem:$0x3FFB];
	_ =	sdelay $0x3  }
0x93: {  	_ =	strace s4  }
0x94: {  	s4 =	sld [smem:$0x3FFC];
	_ =	sdelay $0x3  }
0x95: {  	_ =	strace s4  }
0x96: {  	s4 =	sld [smem:$0x3FFD];
	_ =	sdelay $0x3  }
0x97: {  	_ =	strace s4  }
0x98: {  	_ =	strace $0x8FFFFFFF  }
0x99: {  	s19 =	sld [smem:$0x3FDB];
	_ =	sdelay $0x1  }
0x9a: {  	s5 =	simm.s32 $_scs_section_size  }
0x9b: {  	s6 =	simm.s32 $_size__tile_overlayer_lowered;
	s7 =	simm.s32 $_tile_overlayer_lowered  }
0x9c: {  	s22 =	simm.s32 $0x1BFF;
	s21 =	sshll.u32 s7, $0x1;
	s4 =	sadd.s32 s5, s19  }
0x9d: {  	s8 =	simm.s32 $0x0;
	s20 =	sshll.u32 s6, $0x1;
	s6 =	sadd.s32 s21, s4  }
0x9e: {  	[timem:s8], [sflag:s22] =	dma.local [hbm:s6], s20  }
0x9f: {  	_ =	swait.ge [sflag:s22], s20  }
0xa0: {  	s5 =	ssub.s32 $0x0, s20;
	[sflag:s22] =	ssyncset.done $0x0  }
0xa1: {  	[sflag:s22] =	ssyncadd.s32 s5;
	_ =	sdelay $0x1  }
0xa2: {  	s23 =	simm.s32 $0x1B8B  }
0xa3: {  	_ =	swait.ge [sflag:s23], $0x1  }
0xa4: {  	[sflag:s23] =	ssyncset.done $0x0  }
0xa5: {  	s25 =	simm.s32 $0x1B8E;
	s24 =	sld [smem:$0x3FFE];
	[sflag:s23] =	ssyncadd.s32 $0xFFFFFFFF  }
0xa6: {  	s26 =	simm.s32 $execute0_lowered;
	[smem:$0x3FD2] =	sst s25  }
0xa7: {  	s6 =	sshll.u32 s26, $0x1;
	_ =	strace $0x80000046;
	[dreg:$0x1] =	wrdreg $0xFFFFFFFF  }
0xa8: {  	s28 =	simm.s32 $_size_execute0_lowered;
	s4 =	sadd.s32 s4, s6;
	[dreg:$0x0] =	wrdreg $0x0  }
0xa9: {  	s6 =	sshll.u32 s28, $0x1;
	[dreg:$0x2] =	wrdreg s4  }
0xaa: {  	[dreg:$0x3] =	wrdreg s6  }
0xab: {  	[dreg:$0x4] =	wrdreg $0xC0  }
0xac: {  	_ =	task [dreg:s8], $0x5FFFF  }
0xad: {  	[dreg:$0x1] =	wrdreg $0xFFFFFFFF  }
0xae: {  	[dreg:$0x0] =	wrdreg $0x60  }
0xaf: {  	[dreg:$0x2] =	wrdreg s2  }
0xb0: {  	[dreg:$0x3] =	wrdreg s24  }
0xb1: {  	[dreg:$0x4] =	wrdreg s18  }
0xb2: {  	[dreg:$0x5] =	wrdreg $0x9  }
0xb3: {  	_ =	task.clear_ibuf [dreg:s8], $0x6FFFF;
	_ =	strace $0x90000046  }
0xb4: {  	s29 =	simm.s32 $0x9;
	_ =	strace $0x80000048  }
0xb5: {  	_ =	swait.ge [sflag:s29], $0x1  }
0xb6: {  	[sflag:s29] =	ssyncadd.s32 $0xFFFFFFFF  }
0xb7: {  	_ =	strace $0x90000048  }
0xb8: {  	_ =	sfence  }
0xb9: {  	s30 =	sld [smem:$0x0];
	_ =	sdelay $0x2  }
0xba: {  	s31 =	sshll.u32 s1, $0xD;
	s1 =	sshrl.u32 s1, $0x2  }
0xbb: {  	s3 =	sand.u32 $0x4000, s31;
	s1 =	sadd.s32 s1, s30  }
0xbc: {  	s0 =	sor.u32 s3, s0;
	s1 =	sshll.u32 s1, $0x11  }
0xbd: {  	s0 =	sor.u32 s1, s0  }
0xbe: {  	s0 =	sadd.s32 $0x8F2B, s0  }
0xbf: {  	[sflag:s0] =	ssyncadd.remote.s32 $0x1  }
0xc0: {  	_ =	sfence.sel $0xFFFF  }
0xc1: {  	[dreg:$0x0] =	wrdreg $0xFFFFFFFF;
	(pc) =	sbr.abs _section_cstart, $3  }
0xc2: {  	[dreg:$0x1] =	wrdreg $0xFFFFFFFF  }
0xc3: {  	_ =	task.clear_ibuf [dreg:s8], $0x2FFFF;
	_ =	strace $0x9FFFFFFF  }
0xc4: {  	(tm) =	ssettm $0x7FFFFFFF  }
0xc5: {  	_ =	shalt  }
tec
execute0_lowered:
.L_overlay_start_1:
0x0: {  	(tag) =	ssettag $0x1  }
0x1: {  	s1 =	rddreg [dreg:$0x0]  }
0x2: {  	s0 =	rddreg [dreg:$0x1];
	s2 =	srdreg.scid  }
0x3: {  	s6 =	stileid.u32;
	s11 =	rddreg [dreg:$0x2]  }
0x4: {  	s3 =	simm.s32 $0x0;
	s12 =	simm.s32 $0x3;
	s13 =	simm.s32 $0x80  }
0x5: {  	s14 =	simm.s32 $0x1C00;
	s15 =	simm.s32 $0x5C00;
	s20 =	simm.s32 $0x1  }
0x6: {  	s2 =	sand.u32 $0x1, s2;
	s4 =	sshll.u32 s6, $0x1;
	s7 =	smul.u32 $0x190000, s6  }
0x7: {  	s4 =	sor.u32 s2, s4;
	s28 =	ssub.s32 $0x2, s2;
	s2 =	smul.u32 $0xC8000, s2  }
0x8: {  	s22 =	simm.s32 $0x15C00;
	s23 =	simm.s32 $0x2;
	s5 =	smul.u32 $0x380, s4  }
0x9: {  	[smem:$0x7FF] =	sst s3;
	s4 =	smul.u32 $0xC8000, s4;
	s29 =	sshrl.u32 s28, $0x1  }
0xa: {  	s24 =	simm.s32 $0x0;
	_ =	strace $0x80000047;
	s9 =	ssub.s32 s28, s29  }
0xb: {  	s2 =	sadd.s32 s2, s7;
	s0 =	sadd.s32 s5, s0;
	s8 =	sshrl.u32 s4, $0x3  }
0xc: {  	s31 =	sor.u32 $0x4000, s2;
	s9 =	smax.u32 s9, $0x1;
	s2 =	sshrl.u32 s2, $0x3  }
0xd: {  	s4 =	sadd.s32 $0x400, s0;
	s30 =	sadd.s32 s11, s8;
	s0 =	sshrl.u32 s31, $0x3  }
0xe: {  	s10 =	sadd.s32 s2, s11;
	s5 =	sadd.s32 $0x17000, s30;
	s6 =	sadd.s32 $0x17800, s30  }
0xf: {  	s7 =	sadd.s32 $0x18000, s30;
	s8 =	sadd.s32 $0x18800, s30;
	s11 =	sadd.s32 s0, s11  }
.LBB2_1:
0x10: {  	[tilespmem:s3], [sflag:$0x3] =	stream.linear.gather [hbm4b:s4+s3], $0x1900, $0x38;
	[tilespmem:$0x19C00] =	vst v63  }
0x11: {  	_ =	swait.ge [sflag:s12], $0x1900  }
0x12: {  	[sflag:s12] =	ssyncset.done $0x0  }
0x13: {  	[sflag:s12] =	ssyncadd.s32 $0xFFFFE700  }
0x14: {  	[tilespmem:s14], [sflag:$0x1] =	stream.indirect.gather [hbm4b:s1+s13], $0x80, s3, s13, $0xb8;
	[tilespmem:$0x19C00] =	vst v63  }
0x15: {  	_ = 	snop  }
0x16: {  	[tilespmem:s15], [sflag:$0x1] =	stream.indirect.gather [hbm4b:s1+s13], $0x80, s13, s13, $0xb8;
	[tilespmem:$0x19C00] =	vst v63  }
0x17: {  	s0 =	simm.s32 $0x100;
	s2 =	simm.s32 $0x9C00  }
0x18: {  	[tilespmem:s2], [sflag:$0x1] =	stream.indirect.gather [hbm4b:s1+s13], $0x80, s0, s13, $0xb8;
	[tilespmem:$0x19C00] =	vst v63  }
0x19: {  	s25 =	simm.s32 $0x180;
	s26 =	simm.s32 $0xDC00  }
0x1a: {  	[tilespmem:s26], [sflag:$0x1] =	stream.indirect.gather [hbm4b:s1+s13], $0x80, s25, s13, $0xb8;
	[tilespmem:$0x19C00] =	vst v63  }
0x1b: {  	s25 =	simm.s32 $0x0  }
0x1c: {  	s16 =	simm.s32 $0xFFFFFFFE;
	s17 =	smul.u32 $0xAB, s25  }
0x1d: {  	s29 =	simm.s32 $0x5;
	p0 =	por $0x1, $0x1;
	s0 =	smul.u32 $0xAB, s16  }
0x1e: {  	s31 =	sadd.s32 $0x1000, s10;
	s29 =	smul.u32 $0xAB, s29;
	s2 =	sshrl.u32 s17, $0xA  }
0x1f: {  	s30 =	simm.s32 @!p0 $0x2;
	s28 =	sadd.s32 $0x402, s0;
	s2 =	sand.u32 $0x3F, s2  }
0x20: {  	s19 =	sshrl.u32 s29, $0xA;
	s28 =	sshrl.u32 s28, $0xA;
	s2 =	smul.u32 $0x6, s2  }
0x21: {  	s0 =	sadd.s32 $0x201, s0;
	_ =	swait.ge [sflag:s20], $0x4000;
	s28 =	sand.u32 $0x3F, s28  }
0x22: {  	s0 =	sshrl.u32 s0, $0xA;
	s28 =	smul.u32 $0x6, s28;
	s2 =	ssub.s32 $0x0, s2  }
0x23: {  	s0 =	sand.u32 $0x3F, s0;
	[sflag:s20] =	ssyncset.done $0x0;
	s2 =	sand.u32 $0xFF, s2  }
0x24: {  	s0 =	smul.u32 $0x6, s0;
	s28 =	ssub.s32 $0xFFFFFFFE, s28;
	s2 =	sshll.u32 s2, $0xE  }
0x25: {  	[sflag:s20] =	ssyncadd.s32 $0xFFFFC000;
	s28 =	sadd.s32 $0x6, s28;
	s2 =	sor.u32 $0x1C00, s2  }
0x26: {  	[hbm4b:s10+s3] =	stream.linear.scatter [tilespmem:s2], [sflag:$0x2], $0x4000, $0x38;
	[tilespmem:$0x19C00] =	vst v63  }
0x27: {  	s0 =	ssub.s32 $0xFFFFFFFE, s0;
	s18 =	sand.u32 $0xFF, s28;
	_ =	swait.ge @!p0 [sflag:s30], $0x4000  }
0x28: {  	s0 =	sadd.s32 $0x3, s0;
	s2 =	sshll.u32 s18, $0xE;
	[sflag:s30] =	ssyncset.done @!p0 $0x0  }
0x29: {  	s28 =	simm.s32 $0x200;
	s2 =	sor.u32 $0x1C00, s2;
	[sflag:s30] =	ssyncadd.s32 @!p0 $0xFFFFC000  }
0x2a: {  	[tilespmem:s2], [sflag:$0x1] =	stream.indirect.gather [hbm4b:s1+s13], $0x80, s28, s13, $0xb8;
	[tilespmem:$0x19C00] =	vst v63  }
0x2b: {  	s29 =	simm.s32 $0x380;
	s0 =	sand.u32 $0xFF, s0;
	_ =	swait.ge [sflag:s20], $0x4000  }
0x2c: {  	s0 =	sshll.u32 s0, $0xE;
	s2 =	sand.u32 $0x3F, s19;
	[sflag:s20] =	ssyncset.done $0x0  }
0x2d: {  	s0 =	sor.u32 $0x1C00, s0;
	s2 =	smul.u32 $0x6, s2;
	[sflag:s20] =	ssyncadd.s32 $0xFFFFC000  }
0x2e: {  	[hbm4b:s11+s3] =	stream.linear.scatter [tilespmem:s0], [sflag:$0x2], $0x4000, $0x38;
	[tilespmem:$0x19C00] =	vst v63  }
0x2f: {  	s26 =	simm.s32 $0x280;
	s21 =	ssub.s32 $0x5, s2;
	_ =	swait.ge @!p0 [sflag:s30], $0x4000  }
0x30: {  	s28 =	sadd.s32 $0x1000, s11;
	s0 =	sand.u32 $0xFF, s21;
	[sflag:s30] =	ssyncset.done @!p0 $0x0  }
.LBB2_2:
0x31: {  	[sflag:s30] =	ssyncadd.s32 @!p0 $0xFFFFC000;
	s0 =	sshll.u32 s0, $0xE  }
0x32: {  	s16 =	smov.u32 s25;
	s25 =	sadd.s32 $0x2, s25;
	s2 =	smov.u32 s28  }
0x33: {  	s30 =	smul.u32 $0xAB, s25;
	p1 =	slt.u32 s25, $0x2C;
	s0 =	sor.u32 $0x1C00, s0  }
0x34: {  	[tilespmem:s0], [sflag:$0x1] =	stream.indirect.gather [hbm4b:s1+s13], $0x80, s26, s13, $0xb8;
	[tilespmem:$0x19C00] =	vst v63  }
0x35: {  	s17 =	smul.u32 $0xAB, s16;
	s26 =	smov.u32 s29  }
0x36: {  	s0 =	sadd.s32 $0x7, s16;
	s30 =	sshrl.u32 s30, $0xA;
	_ =	swait.ge [sflag:s20], $0x4000  }
0x37: {  	s18 =	sadd.s32 $0x402, s17;
	s17 =	sadd.s32 $0x201, s17;
	s30 =	sand.u32 $0x3F, s30  }
0x38: {  	s18 =	sshrl.u32 s18, $0xA;
	s17 =	sshrl.u32 s17, $0xA;
	s30 =	smul.u32 $0x6, s30  }
0x39: {  	s19 =	smul.u32 $0xAB, s0;
	s18 =	sand.u32 $0x3F, s18;
	s17 =	sand.u32 $0x3F, s17  }
0x3a: {  	p0 =	seq.s32 s16, $0xFFFFFFFE;
	s18 =	smul.u32 $0x6, s18;
	s30 =	ssub.s32 s25, s30  }
0x3b: {  	s17 =	smul.u32 $0x6, s17;
	s21 =	sand.u32 $0xFF, s30;
	s30 =	simm.s32 @!p0 $0x2  }
0x3c: {  	s18 =	ssub.s32 s16, s18;
	s21 =	sshll.u32 s21, $0xE;
	[sflag:s20] =	ssyncset.done $0x0  }
0x3d: {  	s16 =	ssub.s32 s16, s17;
	s18 =	sadd.s32 $0x6, s18;
	s21 =	sor.u32 $0x1C00, s21  }
0x3e: {  	s16 =	sadd.s32 $0x3, s16;
	s17 =	sand.u32 $0xFF, s18;
	[sflag:s20] =	ssyncadd.s32 $0xFFFFC000  }
0x3f: {  	[hbm4b:s31+s3] =	stream.linear.scatter [tilespmem:s21], [sflag:$0x2], $0x4000, $0x38;
	[tilespmem:$0x19C00] =	vst v63  }
0x40: {  	s16 =	sand.u32 $0xFF, s16;
	s17 =	sshll.u32 s17, $0xE;
	_ =	swait.ge @!p0 [sflag:s30], $0x4000  }
0x41: {  	s16 =	sshll.u32 s16, $0xE;
	s17 =	sor.u32 $0x1C00, s17;
	[sflag:s30] =	ssyncset.done @!p0 $0x0  }
0x42: {  	s19 =	sshrl.u32 s19, $0xA;
	s18 =	sadd.s32 $0xFFFFFF80, s29;
	[sflag:s30] =	ssyncadd.s32 @!p0 $0xFFFFC000  }
0x43: {  	[tilespmem:s17], [sflag:$0x1] =	stream.indirect.gather [hbm4b:s1+s13], $0x80, s18, s13, $0xb8;
	[tilespmem:$0x19C00] =	vst v63  }
0x44: {  	s17 =	sand.u32 $0x3F, s19  }
0x45: {  	_ =	swait.ge [sflag:s20], $0x4000;
	s17 =	smul.u32 $0x6, s17  }
.Ltmp0:
0x46: {  	s16 =	sor.u32 $0x1C00, s16;
	[sflag:s20] =	ssyncset.done $0x0;
	(pc) =	sbr.rel @p1 .LBB2_2-.Ltmp0, $4  }
0x47: {  	s28 =	sadd.s32 $0x1000, s28;
	[sflag:s20] =	ssyncadd.s32 $0xFFFFC000  }
0x48: {  	[hbm4b:s2+s3] =	stream.linear.scatter [tilespmem:s16], [sflag:$0x2], $0x4000, $0x38;
	[tilespmem:$0x19C00] =	vst v63  }
0x49: {  	s29 =	sadd.s32 $0x100, s29;
	s0 =	ssub.s32 s0, s17;
	_ =	swait.ge @!p0 [sflag:s30], $0x4000  }
0x4a: {  	s31 =	sadd.s32 $0x1000, s31;
	s0 =	sand.u32 $0xFF, s0;
	[sflag:s30] =	ssyncset.done @!p0 $0x0  }
0x4b: {  	s0 =	sshll.u32 s0, $0xE  }
0x4c: {  	[sflag:s30] =	ssyncadd.s32 @!p0 $0xFFFFC000;
	s0 =	sor.u32 $0x1C00, s0  }
0x4d: {  	[tilespmem:s0], [sflag:$0x1] =	stream.indirect.gather [hbm4b:s1+s13], $0x80, s26, s13, $0xb8;
	[tilespmem:$0x19C00] =	vst v63  }
0x4e: {  	_ =	swait.ge [sflag:s20], $0x4000  }
0x4f: {  	[sflag:s20] =	ssyncset.done $0x0  }
0x50: {  	s31 =	simm.s32 $0x11C00;
	[sflag:s20] =	ssyncadd.s32 $0xFFFFC000  }
0x51: {  	[hbm4b:s5+s3] =	stream.linear.scatter [tilespmem:s31], [sflag:$0x2], $0x4000, $0x38;
	[tilespmem:$0x19C00] =	vst v63  }
0x52: {  	_ =	swait.ge [sflag:s20], $0x4000  }
0x53: {  	[sflag:s20] =	ssyncset.done $0x0  }
0x54: {  	[sflag:s20] =	ssyncadd.s32 $0xFFFFC000  }
0x55: {  	[hbm4b:s6+s3] =	stream.linear.scatter [tilespmem:s22], [sflag:$0x2], $0x4000, $0x38;
	[tilespmem:$0x19C00] =	vst v63  }
0x56: {  	_ =	swait.ge [sflag:s20], $0x4000  }
0x57: {  	[sflag:s20] =	ssyncset.done $0x0  }
0x58: {  	[sflag:s20] =	ssyncadd.s32 $0xFFFFC000  }
0x59: {  	[hbm4b:s7+s3] =	stream.linear.scatter [tilespmem:s14], [sflag:$0x2], $0x4000, $0x38;
	[tilespmem:$0x19C00] =	vst v63  }
0x5a: {  	_ =	swait.ge [sflag:s20], $0x4000  }
0x5b: {  	[sflag:s20] =	ssyncset.done $0x0  }
0x5c: {  	[sflag:s20] =	ssyncadd.s32 $0xFFFFC000  }
0x5d: {  	[hbm4b:s8+s3] =	stream.linear.scatter [tilespmem:s15], [sflag:$0x2], $0x4000, $0x38;
	[tilespmem:$0x19C00] =	vst v63  }
0x5e: {  	_ =	swait.ge [sflag:s23], $0x4000  }
0x5f: {  	[sflag:s23] =	ssyncset.done $0x0  }
0x60: {  	[sflag:s23] =	ssyncadd.s32 $0xFFFFC000  }
0x61: {  	_ =	swait.ge [sflag:s23], $0x4000  }
0x62: {  	[sflag:s23] =	ssyncset.done $0x0  }
0x63: {  	[sflag:s23] =	ssyncadd.s32 $0xFFFFC000  }
0x64: {  	_ =	swait.ge [sflag:s23], $0x4000  }
0x65: {  	[sflag:s23] =	ssyncset.done $0x0  }
0x66: {  	[sflag:s23] =	ssyncadd.s32 $0xFFFFC000  }
0x67: {  	_ =	swait.ge [sflag:s23], $0x4000  }
0x68: {  	[sflag:s23] =	ssyncset.done $0x0  }
0x69: {  	s24 =	sadd.s32 $0x1, s24;
	[sflag:s23] =	ssyncadd.s32 $0xFFFFC000  }
0x6a: {  	p0 =	sne.s32 s24, s9;
	_ =	swait.ge [sflag:s23], $0x4000  }
.Ltmp1:
0x6b: {  	[sflag:s23] =	ssyncset.done $0x0;
	(pc) =	sbr.rel @p0 .LBB2_1-.Ltmp1, $4  }
0x6c: {  	[sflag:s23] =	ssyncadd.s32 $0xFFFFC000  }
0x6d: {  	_ =	swait.ge [sflag:s23], $0x4000  }
0x6e: {  	[sflag:s23] =	ssyncset.done $0x0  }
0x6f: {  	[sflag:s23] =	ssyncadd.s32 $0xFFFFC000  }
0x70: {  	_ =	sfence.sel $0x180000  }
0x71: {  	[bflag:$0x0] =	sbarrier.arrive $0xFFFF  }
0x72: {  	_ =	strace $0x90000047  }
0x73: {  	s0 =	stileid.u32;
	[bflag:$0x2] =	sbarrier.arrive $0xFFFF  }
0x74: {  	p0 =	sne.s32 s0, $0x0;
	s0 =	rddreg [dreg:$0x3]  }
0x75: {  	s0 =	sadd.s32 @!p0 $0x100000, s0  }
0x76: {  	[sflag:s0] =	ssyncadd.tile.s32 @!p0 $0x1;
	_ =	shalt  }
.Lfunc_end2:
_tile_overlayer_lowered:
.L_overlay_start_2:
0x77: {  	(tag) =	ssettag $0x2  }
0x78: {  	s0 =	rddreg [dreg:$0x0];
	s2 =	stileid.u32  }
0x79: {  	s1 =	rddreg [dreg:$0x1];
	p0 =	sne.s32 s2, $0x0  }
0x7a: {  	s3 =	rddreg [dreg:$0x2];
	[bflag:$0x3] =	sbarrier.arrive $0xFFFF;
	s2 =	simm.s32 @!p0 $0x1C03  }
0x7b: {  	[timem:s3], [sflag:s2] =	dma.local @!p0 [hbm:s0], s1  }
0x7c: {  	s0 =	simm.s32 @!p0 $0x3  }
0x7d: {  	_ =	swait.ge @!p0 [sflag:s0], s1  }
0x7e: {  	s1 =	ssub.s32 @!p0 $0x0, s1;
	[sflag:s0] =	ssyncset.done @!p0 $0x0  }
0x7f: {  	[sflag:s0] =	ssyncadd.s32 @!p0 s1  }
0x80: {  	[bflag:$0x3] =	sbarrier.arrive $0xFFFF  }
0x81: {  	_ =	shalt  }

</sc_bundles>
